<compile_context>
chip_gen: v7x
topology: tpu7x:2x2x1
jax: 0.10.2.dev20260603
libtpu: 0.0.44.dev20260713+nightly
codegen_flags: <defaults>
</compile_context>

<pallas_src>
import functools

import numpy as np

import jax
import jax.numpy as jnp
from jax import lax
from jax.experimental import pallas as pl
from jax.experimental.pallas import tpu as pltpu
from jax.experimental.pallas import tpu_sc as plsc

N_SAMPLES = 5
N_PER = N_SAMPLES + 1

NC = 2
NS = 16
NW = NC * NS
LANES = 16


def _rotl32(x, d):
    return ((x << np.uint32(d)) | (x >> np.uint32(32 - d))).astype(np.uint32)


def _threefry2x32(k1, k2, x0, x1):
    rotations = [(13, 15, 26, 6), (17, 29, 16, 24)]
    ks = [np.uint32(k1), np.uint32(k2),
          np.uint32(k1) ^ np.uint32(k2) ^ np.uint32(0x1BD11BDA)]
    x = [x0.astype(np.uint32).copy(), x1.astype(np.uint32).copy()]
    x[0] = x[0] + ks[0]
    x[1] = x[1] + ks[1]
    for i in range(5):
        for r in rotations[i % 2]:
            x[0] = x[0] + x[1]
            x[1] = _rotl32(x[1], r)
            x[1] = x[0] ^ x[1]
        x[0] = x[0] + ks[(i + 1) % 3]
        x[1] = x[1] + ks[(i + 2) % 3] + np.uint32(i + 1)
    return x[0], x[1]


def _neg_sample_bits(n):
    b1, b2 = _threefry2x32(0, 42, np.zeros(2, np.uint32),
                           np.arange(2, dtype=np.uint32))
    k_hi = (b1[0], b2[0])
    k_lo = (b1[1], b2[1])
    zeros = np.zeros(n, np.uint32)
    iota = np.arange(n, dtype=np.uint32)
    h1, h2 = _threefry2x32(k_hi[0], k_hi[1], zeros, iota)
    l1, l2 = _threefry2x32(k_lo[0], k_lo[1], zeros, iota)
    return h1 ^ h2, l1 ^ l2


_HI_BITS, _LO_BITS = _neg_sample_bits(4096 * N_SAMPLES)


def _neg_indices_np(V):
    span = np.uint32(V)
    mult = np.uint32(2 ** 16) % span
    mult = np.uint32(
        (np.uint64(mult) * np.uint64(mult)) % np.uint64(2 ** 32)) % span
    return (((_HI_BITS % span) * mult + (_LO_BITS % span)) % span).astype(np.int32)




def _make_sc_partials(B, V, D):
    P = B * N_PER
    ppw = P // NW
    ipw = B // NW
    npw = ipw * N_SAMPLES
    n_chunks = ppw // 128
    KS = D // LANES

    mesh = plsc.VectorSubcoreMesh(
        core_axis_name="c", subcore_axis_name="s", num_cores=NC, num_subcores=NS
    )

    rpw = 8
    owidth = ppw * LANES // rpw

    @functools.partial(
        pl.kernel,
        out_type=jax.ShapeDtypeStruct((NW * rpw, owidth), jnp.float32),
        mesh=mesh,
        compiler_params=pltpu.CompilerParams(needs_layout_passes=False),
        scratch_types=[
            pltpu.VMEM((ppw,), jnp.int32),
            pltpu.VMEM((ppw, D), jnp.float32),
            pltpu.VMEM((ipw, D), jnp.float32),
            pltpu.VMEM((rpw, owidth), jnp.float32),
            pltpu.SemaphoreType.DMA,
            pltpu.SemaphoreType.DMA,
        ],
    )
    def sc_partials(table_hbm, inp_hbm, tgt_hbm, neg_hbm, out_hbm,
                    idx_v, rows_v, inp_v, part_v, sem, sem2):
        wid = lax.axis_index("s") * NC + lax.axis_index("c")
        chunks = [(0, 128), (128, 256), (384, 256), (640, 128)]
        stage_tgt = pltpu.async_copy(
            tgt_hbm.at[pl.ds(wid * ipw, ipw)], idx_v.at[pl.ds(0, ipw)], sem2)
        stage_neg = pltpu.async_copy(
            neg_hbm.at[pl.ds(wid * npw, npw)], idx_v.at[pl.ds(ipw, npw)], sem2)
        stage_inp = pltpu.async_copy(
            inp_hbm.at[pl.ds(wid * ipw, ipw)], inp_v, sem2)

        def fire(off, n):
            return pltpu.async_copy(
                table_hbm.at[idx_v.at[pl.ds(off, n)]],
                rows_v.at[pl.ds(off, n)],
                sem,
            )

        stage_tgt.wait()
        copies = [fire(*chunks[0])]
        stage_neg.wait()
        copies += [fire(off, n) for off, n in chunks[1:]]
        stage_inp.wait()

        pairs_per_row = owidth // LANES

        def store_part(p, val):
            r = lax.div(p, pairs_per_row)
            c = lax.rem(p, pairs_per_row) * LANES
            part_v[r, pl.ds(c, LANES)] = val

        def item_body(t, _):
            xs = [inp_v[t, pl.ds(LANES * k, LANES)] for k in range(KS)]

            def partial_dot(prow):
                ps = [xs[k] * rows_v[prow, pl.ds(LANES * k, LANES)]
                      for k in range(KS)]
                return ((ps[0] + ps[1]) + (ps[2] + ps[3])) + (
                    (ps[4] + ps[5]) + (ps[6] + ps[7]))

            store_part(t, partial_dot(t))
            for j in range(N_SAMPLES):
                p = ipw + t * N_SAMPLES + j
                store_part(p, -partial_dot(p))
            return 0

        copies[0].wait()
        t_lo = 0
        navail = 0
        for c in range(1, len(chunks)):
            copies[c].wait()
            navail += chunks[c][1]
            t_hi = min((navail - N_SAMPLES) // N_SAMPLES + 1, ipw)
            lax.fori_loop(t_lo, t_hi, item_body, 0)
            t_lo = t_hi
        pltpu.sync_copy(part_v, out_hbm.at[pl.ds(wid * rpw, rpw)])

    return sc_partials


def _tc_loss_body(x_ref, o_ref, *, denom):
    x = x_ref[...]
    width = x_ref.shape[1]
    npair = width // LANES
    c = lax.broadcasted_iota(jnp.int32, (width, npair), 0)
    j = lax.broadcasted_iota(jnp.int32, (width, npair), 1)
    fold = (c // LANES == j).astype(jnp.bfloat16)
    s = jnp.dot(x.astype(jnp.bfloat16), fold,
                preferred_element_type=jnp.float32)
    ls = jnp.minimum(s, 0.0) - jnp.log1p(jnp.exp(-jnp.abs(s)))
    o_ref[0, 0] = -jnp.sum(ls) / denom


def kernel(input_vectors, output_vectors, target_indices, vocab_size):
    B, D = input_vectors.shape
    V = output_vectors.shape[0]

    neg_flat = jnp.asarray(_neg_indices_np(V))

    x = _make_sc_partials(B, V, D)(
        output_vectors, input_vectors, target_indices.astype(jnp.int32), neg_flat
    )

    loss = pl.pallas_call(
        functools.partial(_tc_loss_body, denom=float(B)),
        out_shape=jax.ShapeDtypeStruct((1, 1), jnp.float32),
        out_specs=pl.BlockSpec(memory_space=pltpu.SMEM),
    )(x)
    return loss[0, 0]

# --- scband reference (transcript-rebuilt; emitter-appended) ---
"""Pipeline reference for scband-negative-sampling-loss-42331197670046 (READ-ONLY COPY).

The authoritative reference and input builder live on the scoring server;
editing this copy changes nothing except your own understanding.
"""

import jax, jax.numpy as jnp
import numpy as np

N_SAMPLES = 5

def setup_inputs(seed: int = 0) -> dict:
    key = jax.random.key(seed)
    k1, k2, k3 = jax.random.split(key, 3)
    B, V, D = 4096, 100000, 128
    input_vectors = jax.random.normal(k1, (B, D), dtype=jnp.float32)
    output_vectors = jax.random.normal(k2, (V, D), dtype=jnp.float32)
    target_indices = jax.random.randint(k3, (B,), 0, V, dtype=jnp.int64 if jax.config.jax_enable_x64 else jnp.int32)
    return {"input_vectors": input_vectors, "output_vectors": output_vectors, "target_indices": target_indices, "vocab_size": V}

def reference(input_vectors, output_vectors, target_indices, vocab_size):
    B = input_vectors.shape[0]
    # sampling_weights are all ones -> multinomial with replacement == uniform over vocab
    neg_key = jax.random.key(42)
    negative_samples = jax.random.randint(neg_key, (B, N_SAMPLES), 0, vocab_size)
    # positive term: sum over batch of logsigmoid(<input_i, output[target_i]>)
    pos_scores = jnp.sum(input_vectors * jnp.take(output_vectors, target_indices, axis=0), axis=1)
    positive_loss = jnp.sum(jax.nn.log_sigmoid(pos_scores))
    # negative term: bmm of [B, n, D] x [B, D, 1] -> [B, n]
    negative_vectors = jnp.take(output_vectors, negative_samples, axis=0)  # [B, n, D]
    neg_scores = jnp.einsum('bnd,bd->bn', negative_vectors, input_vectors)
    negative_loss = jnp.sum(jax.nn.log_sigmoid(-neg_scores))
    return -(positive_loss + negative_loss) / B

if __name__ == "__main__":
    import jax
    _d = setup_inputs()
    print(jax.jit(kernel)(*tuple(_d.values())))

</pallas_src>

<mosaic_0001>
#map = affine_map<(d0, d1) -> (0, 0)>
#map1 = affine_map<(d0, d1) -> (0)>
module attributes {stable_mosaic.version = 14 : i64} {
  func.func @sc_partials(%arg0: i32, %arg1: i32, %arg2: memref<100000x128xf32, #tpu.memory_space<hbm>>, %arg3: memref<4096x128xf32, #tpu.memory_space<hbm>>, %arg4: memref<4096xi32, #tpu.memory_space<hbm>>, %arg5: memref<20480xi32, #tpu.memory_space<hbm>>, %arg6: memref<256x1536xf32, #tpu.memory_space<hbm>>, %arg7: memref<768xi32, #tpu.memory_space<vmem>>, %arg8: memref<768x128xf32, #tpu.memory_space<vmem>>, %arg9: memref<128x128xf32, #tpu.memory_space<vmem>>, %arg10: memref<8x1536xf32, #tpu.memory_space<vmem>>, %arg11: memref<!tpu.dma_semaphore, #tpu.memory_space<semaphore_mem>>, %arg12: memref<!tpu.dma_semaphore, #tpu.memory_space<semaphore_mem>>) attributes {dimension_semantics = [#tpu.dimension_semantics<core_parallel>, #tpu.dimension_semantics<subcore_parallel>], iteration_bounds = array<i64: 2, 16>, scalar_prefetch = 0 : i64, scratch_operands = 6 : i64, tpu.core_type = #tpu.core_type<sc_vector_subcore>, window_params = [{transform_indices = #map}, {transform_indices = #map}, {transform_indices = #map1}, {transform_indices = #map1}, {transform_indices = #map}]} {
    %mul3A = arith.constant 2 : i32
    %mul3A_0 = arith.muli %arg1, %mul3A : i32
    %add3A = arith.addi %mul3A_0, %arg0 : i32
    %mul3A_1 = arith.constant 128 : i32
    %mul3A_2 = arith.muli %add3A, %mul3A_1 : i32
    %dma_start3A = arith.constant 0 : i32
    %dma_start3A_3 = tpu.memref_slice %arg7[%dma_start3A] : memref<768xi32, #tpu.memory_space<vmem>> -> memref<128xi32, #tpu.memory_space<vmem>>
    %dma_start3A_4 = tpu.memref_slice %arg4[%mul3A_2] : memref<4096xi32, #tpu.memory_space<hbm>> -> memref<128xi32, #tpu.memory_space<hbm>>
    %dma_start3A_5 = arith.constant 0 : i32
    %dma_start3A_6 = tpu.memref_slice %arg7[%dma_start3A_5] : memref<768xi32, #tpu.memory_space<vmem>> -> memref<128xi32, #tpu.memory_space<vmem>>
    %dma_start3A_7 = tpu.memref_slice %arg4[%mul3A_2] : memref<4096xi32, #tpu.memory_space<hbm>> -> memref<128xi32, #tpu.memory_space<hbm>>
    tpu.enqueue_dma source(%dma_start3A_7 : memref<128xi32, #tpu.memory_space<hbm>>) target(%dma_start3A_6 : memref<128xi32, #tpu.memory_space<vmem>>) target_semaphore(%arg12 : memref<!tpu.dma_semaphore, #tpu.memory_space<semaphore_mem>>)
    %mul3A_8 = arith.constant 640 : i32
    %mul3A_9 = arith.muli %add3A, %mul3A_8 : i32
    %dma_start3A_10 = arith.constant 128 : i32
    %dma_start3A_11 = tpu.memref_slice %arg7[%dma_start3A_10] : memref<768xi32, #tpu.memory_space<vmem>> -> memref<640xi32, #tpu.memory_space<vmem>>
    %dma_start3A_12 = tpu.memref_slice %arg5[%mul3A_9] : memref<20480xi32, #tpu.memory_space<hbm>> -> memref<640xi32, #tpu.memory_space<hbm>>
    %dma_start3A_13 = arith.constant 128 : i32
    %dma_start3A_14 = tpu.memref_slice %arg7[%dma_start3A_13] : memref<768xi32, #tpu.memory_space<vmem>> -> memref<640xi32, #tpu.memory_space<vmem>>
    %dma_start3A_15 = tpu.memref_slice %arg5[%mul3A_9] : memref<20480xi32, #tpu.memory_space<hbm>> -> memref<640xi32, #tpu.memory_space<hbm>>
    tpu.enqueue_dma source(%dma_start3A_15 : memref<640xi32, #tpu.memory_space<hbm>>) target(%dma_start3A_14 : memref<640xi32, #tpu.memory_space<vmem>>) target_semaphore(%arg12 : memref<!tpu.dma_semaphore, #tpu.memory_space<semaphore_mem>>)
    %mul3A_16 = arith.constant 128 : i32
    %mul3A_17 = arith.muli %add3A, %mul3A_16 : i32
    %dma_start3A_18 = arith.constant 0 : i32
    %dma_start3A_19 = tpu.memref_slice %arg3[%mul3A_17, %dma_start3A_18] : memref<4096x128xf32, #tpu.memory_space<hbm>> -> memref<128x128xf32, #tpu.memory_space<hbm>>
    %dma_start3A_20 = arith.constant 0 : i32
    %dma_start3A_21 = tpu.memref_slice %arg3[%mul3A_17, %dma_start3A_20] : memref<4096x128xf32, #tpu.memory_space<hbm>> -> memref<128x128xf32, #tpu.memory_space<hbm>>
    tpu.enqueue_dma source(%dma_start3A_21 : memref<128x128xf32, #tpu.memory_space<hbm>>) target(%arg9 : memref<128x128xf32, #tpu.memory_space<vmem>>) target_semaphore(%arg12 : memref<!tpu.dma_semaphore, #tpu.memory_space<semaphore_mem>>)
    %dma_wait3A = arith.constant 0 : i32
    %dma_wait3A_22 = tpu.memref_slice %arg7[%dma_wait3A] : memref<768xi32, #tpu.memory_space<vmem>> -> memref<128xi32, #tpu.memory_space<vmem>>
    %dma_wait3A_23 = tpu.memref_slice %arg4[%mul3A_2] : memref<4096xi32, #tpu.memory_space<hbm>> -> memref<128xi32, #tpu.memory_space<hbm>>
    %dma_wait3A_24 = arith.constant 0 : i32
    %dma_wait3A_25 = tpu.memref_slice %arg7[%dma_wait3A_24] : memref<768xi32, #tpu.memory_space<vmem>> -> memref<128xi32, #tpu.memory_space<vmem>>
    %dma_wait3A_26 = tpu.memref_slice %arg4[%mul3A_2] : memref<4096xi32, #tpu.memory_space<hbm>> -> memref<128xi32, #tpu.memory_space<hbm>>
    tpu.wait_dma2 semaphore(%arg12 : memref<!tpu.dma_semaphore, #tpu.memory_space<semaphore_mem>>) src(%dma_wait3A_26 : memref<128xi32, #tpu.memory_space<hbm>>) dst(%dma_wait3A_25 : memref<128xi32, #tpu.memory_space<vmem>>)
    %dma_start3A_27 = arith.constant 0 : i32
    %dma_start3A_28 = arith.constant 0 : i32
    %dma_start3A_29 = tpu.memref_slice %arg8[%dma_start3A_27, %dma_start3A_28] : memref<768x128xf32, #tpu.memory_space<vmem>> -> memref<128x128xf32, #tpu.memory_space<vmem>>
    %dma_start3A_30 = arith.constant 0 : i32
    %dma_start3A_31 = tpu.memref_slice %arg7[%dma_start3A_30] : memref<768xi32, #tpu.memory_space<vmem>> -> memref<128xi32, #tpu.memory_space<vmem>>
    %dma_start3A_32 = arith.constant 0 : i32
    %dma_start3A_33 = arith.constant 0 : i32
    %dma_start3A_34 = tpu.memref_slice %arg2[%dma_start3A_32, %dma_start3A_33] : memref<100000x128xf32, #tpu.memory_space<hbm>> -> memref<100000x128xf32, #tpu.memory_space<hbm>>
    tpu.enqueue_indirect_dma source(%dma_start3A_34 : memref<100000x128xf32, #tpu.memory_space<hbm>>) target(%dma_start3A_29 : memref<128x128xf32, #tpu.memory_space<vmem>>) offsets(%dma_start3A_31 : memref<128xi32, #tpu.memory_space<vmem>>) semaphore(%arg11 : memref<!tpu.dma_semaphore, #tpu.memory_space<semaphore_mem>>)
    %dma_wait3A_35 = arith.constant 128 : i32
    %dma_wait3A_36 = tpu.memref_slice %arg7[%dma_wait3A_35] : memref<768xi32, #tpu.memory_space<vmem>> -> memref<640xi32, #tpu.memory_space<vmem>>
    %dma_wait3A_37 = tpu.memref_slice %arg5[%mul3A_9] : memref<20480xi32, #tpu.memory_space<hbm>> -> memref<640xi32, #tpu.memory_space<hbm>>
    %dma_wait3A_38 = arith.constant 128 : i32
    %dma_wait3A_39 = tpu.memref_slice %arg7[%dma_wait3A_38] : memref<768xi32, #tpu.memory_space<vmem>> -> memref<640xi32, #tpu.memory_space<vmem>>
    %dma_wait3A_40 = tpu.memref_slice %arg5[%mul3A_9] : memref<20480xi32, #tpu.memory_space<hbm>> -> memref<640xi32, #tpu.memory_space<hbm>>
    tpu.wait_dma2 semaphore(%arg12 : memref<!tpu.dma_semaphore, #tpu.memory_space<semaphore_mem>>) src(%dma_wait3A_40 : memref<640xi32, #tpu.memory_space<hbm>>) dst(%dma_wait3A_39 : memref<640xi32, #tpu.memory_space<vmem>>)
    %dma_start3A_41 = arith.constant 128 : i32
    %dma_start3A_42 = arith.constant 0 : i32
    %dma_start3A_43 = tpu.memref_slice %arg8[%dma_start3A_41, %dma_start3A_42] : memref<768x128xf32, #tpu.memory_space<vmem>> -> memref<256x128xf32, #tpu.memory_space<vmem>>
    %dma_start3A_44 = arith.constant 128 : i32
    %dma_start3A_45 = tpu.memref_slice %arg7[%dma_start3A_44] : memref<768xi32, #tpu.memory_space<vmem>> -> memref<256xi32, #tpu.memory_space<vmem>>
    %dma_start3A_46 = arith.constant 0 : i32
    %dma_start3A_47 = arith.constant 0 : i32
    %dma_start3A_48 = tpu.memref_slice %arg2[%dma_start3A_46, %dma_start3A_47] : memref<100000x128xf32, #tpu.memory_space<hbm>> -> memref<100000x128xf32, #tpu.memory_space<hbm>>
    tpu.enqueue_indirect_dma source(%dma_start3A_48 : memref<100000x128xf32, #tpu.memory_space<hbm>>) target(%dma_start3A_43 : memref<256x128xf32, #tpu.memory_space<vmem>>) offsets(%dma_start3A_45 : memref<256xi32, #tpu.memory_space<vmem>>) semaphore(%arg11 : memref<!tpu.dma_semaphore, #tpu.memory_space<semaphore_mem>>)
    %dma_start3A_49 = arith.constant 384 : i32
    %dma_start3A_50 = arith.constant 0 : i32
    %dma_start3A_51 = tpu.memref_slice %arg8[%dma_start3A_49, %dma_start3A_50] : memref<768x128xf32, #tpu.memory_space<vmem>> -> memref<256x128xf32, #tpu.memory_space<vmem>>
    %dma_start3A_52 = arith.constant 384 : i32
    %dma_start3A_53 = tpu.memref_slice %arg7[%dma_start3A_52] : memref<768xi32, #tpu.memory_space<vmem>> -> memref<256xi32, #tpu.memory_space<vmem>>
    %dma_start3A_54 = arith.constant 0 : i32
    %dma_start3A_55 = arith.constant 0 : i32
    %dma_start3A_56 = tpu.memref_slice %arg2[%dma_start3A_54, %dma_start3A_55] : memref<100000x128xf32, #tpu.memory_space<hbm>> -> memref<100000x128xf32, #tpu.memory_space<hbm>>
    tpu.enqueue_indirect_dma source(%dma_start3A_56 : memref<100000x128xf32, #tpu.memory_space<hbm>>) target(%dma_start3A_51 : memref<256x128xf32, #tpu.memory_space<vmem>>) offsets(%dma_start3A_53 : memref<256xi32, #tpu.memory_space<vmem>>) semaphore(%arg11 : memref<!tpu.dma_semaphore, #tpu.memory_space<semaphore_mem>>)
    %dma_start3A_57 = arith.constant 640 : i32
    %dma_start3A_58 = arith.constant 0 : i32
    %dma_start3A_59 = tpu.memref_slice %arg8[%dma_start3A_57, %dma_start3A_58] : memref<768x128xf32, #tpu.memory_space<vmem>> -> memref<128x128xf32, #tpu.memory_space<vmem>>
    %dma_start3A_60 = arith.constant 640 : i32
    %dma_start3A_61 = tpu.memref_slice %arg7[%dma_start3A_60] : memref<768xi32, #tpu.memory_space<vmem>> -> memref<128xi32, #tpu.memory_space<vmem>>
    %dma_start3A_62 = arith.constant 0 : i32
    %dma_start3A_63 = arith.constant 0 : i32
    %dma_start3A_64 = tpu.memref_slice %arg2[%dma_start3A_62, %dma_start3A_63] : memref<100000x128xf32, #tpu.memory_space<hbm>> -> memref<100000x128xf32, #tpu.memory_space<hbm>>
    tpu.enqueue_indirect_dma source(%dma_start3A_64 : memref<100000x128xf32, #tpu.memory_space<hbm>>) target(%dma_start3A_59 : memref<128x128xf32, #tpu.memory_space<vmem>>) offsets(%dma_start3A_61 : memref<128xi32, #tpu.memory_space<vmem>>) semaphore(%arg11 : memref<!tpu.dma_semaphore, #tpu.memory_space<semaphore_mem>>)
    %dma_wait3A_65 = arith.constant 0 : i32
    %dma_wait3A_66 = tpu.memref_slice %arg3[%mul3A_17, %dma_wait3A_65] : memref<4096x128xf32, #tpu.memory_space<hbm>> -> memref<128x128xf32, #tpu.memory_space<hbm>>
    %dma_wait3A_67 = arith.constant 0 : i32
    %dma_wait3A_68 = tpu.memref_slice %arg3[%mul3A_17, %dma_wait3A_67] : memref<4096x128xf32, #tpu.memory_space<hbm>> -> memref<128x128xf32, #tpu.memory_space<hbm>>
    tpu.wait_dma2 semaphore(%arg12 : memref<!tpu.dma_semaphore, #tpu.memory_space<semaphore_mem>>) src(%dma_wait3A_68 : memref<128x128xf32, #tpu.memory_space<hbm>>) dst(%arg9 : memref<128x128xf32, #tpu.memory_space<vmem>>)
    %dma_wait3A_69 = arith.constant 0 : i32
    %dma_wait3A_70 = arith.constant 0 : i32
    %dma_wait3A_71 = tpu.memref_slice %arg8[%dma_wait3A_69, %dma_wait3A_70] : memref<768x128xf32, #tpu.memory_space<vmem>> -> memref<128x128xf32, #tpu.memory_space<vmem>>
    %dma_wait3A_72 = arith.constant 0 : i32
    %dma_wait3A_73 = tpu.memref_slice %arg7[%dma_wait3A_72] : memref<768xi32, #tpu.memory_space<vmem>> -> memref<128xi32, #tpu.memory_space<vmem>>
    %dma_wait3A_74 = arith.constant 0 : i32
    %dma_wait3A_75 = arith.constant 0 : i32
    %dma_wait3A_76 = tpu.memref_slice %arg2[%dma_wait3A_74, %dma_wait3A_75] : memref<100000x128xf32, #tpu.memory_space<hbm>> -> memref<100000x128xf32, #tpu.memory_space<hbm>>
    tpu.wait_indirect_dma semaphore(%arg11 : memref<!tpu.dma_semaphore, #tpu.memory_space<semaphore_mem>>) src(%dma_wait3A_76 : memref<100000x128xf32, #tpu.memory_space<hbm>>) dst(%dma_wait3A_71 : memref<128x128xf32, #tpu.memory_space<vmem>>)
    %dma_wait3A_77 = arith.constant 128 : i32
    %dma_wait3A_78 = arith.constant 0 : i32
    %dma_wait3A_79 = tpu.memref_slice %arg8[%dma_wait3A_77, %dma_wait3A_78] : memref<768x128xf32, #tpu.memory_space<vmem>> -> memref<256x128xf32, #tpu.memory_space<vmem>>
    %dma_wait3A_80 = arith.constant 128 : i32
    %dma_wait3A_81 = tpu.memref_slice %arg7[%dma_wait3A_80] : memref<768xi32, #tpu.memory_space<vmem>> -> memref<256xi32, #tpu.memory_space<vmem>>
    %dma_wait3A_82 = arith.constant 0 : i32
    %dma_wait3A_83 = arith.constant 0 : i32
    %dma_wait3A_84 = tpu.memref_slice %arg2[%dma_wait3A_82, %dma_wait3A_83] : memref<100000x128xf32, #tpu.memory_space<hbm>> -> memref<100000x128xf32, #tpu.memory_space<hbm>>
    tpu.wait_indirect_dma semaphore(%arg11 : memref<!tpu.dma_semaphore, #tpu.memory_space<semaphore_mem>>) src(%dma_wait3A_84 : memref<100000x128xf32, #tpu.memory_space<hbm>>) dst(%dma_wait3A_79 : memref<256x128xf32, #tpu.memory_space<vmem>>)
    %scan3A = arith.constant 0 : i32
    %scan3A_85 = arith.constant 0 : i32
    %scan3A_86 = arith.constant 51 : i32
    %scan3A_87 = arith.addi %scan3A_85, %scan3A_86 : i32
    %scan3A_88 = arith.constant 1 : i32
    %scan3A_89 = scf.for %scan3A_123 = %scan3A_85 to %scan3A_87 step %scan3A_88 iter_args(%scan3A_124 = %scan3A) -> (i32)  : i32 {
      %get3A = arith.index_cast %scan3A_123 : i32 to index
      %get3A_125 = arith.constant 0 : index
      %get3A_126 = tpu.vector_load %arg9[%get3A, %get3A_125] {strides = array<i32>} : memref<128x128xf32, #tpu.memory_space<vmem>>, vector<16xf32>,
      %get3A_127 = arith.index_cast %scan3A_123 : i32 to index
      %get3A_128 = arith.constant 16 : index
      %get3A_129 = tpu.vector_load %arg9[%get3A_127, %get3A_128] {strides = array<i32>} : memref<128x128xf32, #tpu.memory_space<vmem>>, vector<16xf32>,
      %get3A_130 = arith.index_cast %scan3A_123 : i32 to index
      %get3A_131 = arith.constant 32 : index
      %get3A_132 = tpu.vector_load %arg9[%get3A_130, %get3A_131] {strides = array<i32>} : memref<128x128xf32, #tpu.memory_space<vmem>>, vector<16xf32>,
      %get3A_133 = arith.index_cast %scan3A_123 : i32 to index
      %get3A_134 = arith.constant 48 : index
      %get3A_135 = tpu.vector_load %arg9[%get3A_133, %get3A_134] {strides = array<i32>} : memref<128x128xf32, #tpu.memory_space<vmem>>, vector<16xf32>,
      %get3A_136 = arith.index_cast %scan3A_123 : i32 to index
      %get3A_137 = arith.constant 64 : index
      %get3A_138 = tpu.vector_load %arg9[%get3A_136, %get3A_137] {strides = array<i32>} : memref<128x128xf32, #tpu.memory_space<vmem>>, vector<16xf32>,
      %get3A_139 = arith.index_cast %scan3A_123 : i32 to index
      %get3A_140 = arith.constant 80 : index
      %get3A_141 = tpu.vector_load %arg9[%get3A_139, %get3A_140] {strides = array<i32>} : memref<128x128xf32, #tpu.memory_space<vmem>>, vector<16xf32>,
      %get3A_142 = arith.index_cast %scan3A_123 : i32 to index
      %get3A_143 = arith.constant 96 : index
      %get3A_144 = tpu.vector_load %arg9[%get3A_142, %get3A_143] {strides = array<i32>} : memref<128x128xf32, #tpu.memory_space<vmem>>, vector<16xf32>,
      %get3A_145 = arith.index_cast %scan3A_123 : i32 to index
      %get3A_146 = arith.constant 112 : index
      %get3A_147 = tpu.vector_load %arg9[%get3A_145, %get3A_146] {strides = array<i32>} : memref<128x128xf32, #tpu.memory_space<vmem>>, vector<16xf32>,
      %get3A_148 = arith.index_cast %scan3A_123 : i32 to index
      %get3A_149 = arith.constant 0 : index
      %get3A_150 = tpu.vector_load %arg8[%get3A_148, %get3A_149] {strides = array<i32>} : memref<768x128xf32, #tpu.memory_space<vmem>>, vector<16xf32>,
      %mul3A_151 = arith.mulf %get3A_126, %get3A_150 : vector<16xf32>
      %get3A_152 = arith.index_cast %scan3A_123 : i32 to index
      %get3A_153 = arith.constant 16 : index
      %get3A_154 = tpu.vector_load %arg8[%get3A_152, %get3A_153] {strides = array<i32>} : memref<768x128xf32, #tpu.memory_space<vmem>>, vector<16xf32>,
      %mul3A_155 = arith.mulf %get3A_129, %get3A_154 : vector<16xf32>
      %get3A_156 = arith.index_cast %scan3A_123 : i32 to index
      %get3A_157 = arith.constant 32 : index
      %get3A_158 = tpu.vector_load %arg8[%get3A_156, %get3A_157] {strides = array<i32>} : memref<768x128xf32, #tpu.memory_space<vmem>>, vector<16xf32>,
      %mul3A_159 = arith.mulf %get3A_132, %get3A_158 : vector<16xf32>
      %get3A_160 = arith.index_cast %scan3A_123 : i32 to index
      %get3A_161 = arith.constant 48 : index
      %get3A_162 = tpu.vector_load %arg8[%get3A_160, %get3A_161] {strides = array<i32>} : memref<768x128xf32, #tpu.memory_space<vmem>>, vector<16xf32>,
      %mul3A_163 = arith.mulf %get3A_135, %get3A_162 : vector<16xf32>
      %get3A_164 = arith.index_cast %scan3A_123 : i32 to index
      %get3A_165 = arith.constant 64 : index
      %get3A_166 = tpu.vector_load %arg8[%get3A_164, %get3A_165] {strides = array<i32>} : memref<768x128xf32, #tpu.memory_space<vmem>>, vector<16xf32>,
      %mul3A_167 = arith.mulf %get3A_138, %get3A_166 : vector<16xf32>
      %get3A_168 = arith.index_cast %scan3A_123 : i32 to index
      %get3A_169 = arith.constant 80 : index
      %get3A_170 = tpu.vector_load %arg8[%get3A_168, %get3A_169] {strides = array<i32>} : memref<768x128xf32, #tpu.memory_space<vmem>>, vector<16xf32>,
      %mul3A_171 = arith.mulf %get3A_141, %get3A_170 : vector<16xf32>
      %get3A_172 = arith.index_cast %scan3A_123 : i32 to index
      %get3A_173 = arith.constant 96 : index
      %get3A_174 = tpu.vector_load %arg8[%get3A_172, %get3A_173] {strides = array<i32>} : memref<768x128xf32, #tpu.memory_space<vmem>>, vector<16xf32>,
      %mul3A_175 = arith.mulf %get3A_144, %get3A_174 : vector<16xf32>
      %get3A_176 = arith.index_cast %scan3A_123 : i32 to index
      %get3A_177 = arith.constant 112 : index
      %get3A_178 = tpu.vector_load %arg8[%get3A_176, %get3A_177] {strides = array<i32>} : memref<768x128xf32, #tpu.memory_space<vmem>>, vector<16xf32>,
      %mul3A_179 = arith.mulf %get3A_147, %get3A_178 : vector<16xf32>
      %add3A_180 = arith.addf %mul3A_151, %mul3A_155 : vector<16xf32>
      %add3A_181 = arith.addf %mul3A_159, %mul3A_163 : vector<16xf32>
      %add3A_182 = arith.addf %add3A_180, %add3A_181 : vector<16xf32>
      %add3A_183 = arith.addf %mul3A_167, %mul3A_171 : vector<16xf32>
      %add3A_184 = arith.addf %mul3A_175, %mul3A_179 : vector<16xf32>
      %add3A_185 = arith.addf %add3A_183, %add3A_184 : vector<16xf32>
      %add3A_186 = arith.addf %add3A_182, %add3A_185 : vector<16xf32>
      %div3A = arith.constant 96 : i32
      %div3A_187 = arith.divsi %scan3A_123, %div3A : i32
      %rem3A = arith.constant 96 : i32
      %rem3A_188 = arith.remsi %scan3A_123, %rem3A : i32
      %mul3A_189 = arith.constant 16 : i32
      %mul3A_190 = arith.muli %rem3A_188, %mul3A_189 : i32
      %swap3A = arith.index_cast %div3A_187 : i32 to index
      %swap3A_191 = arith.index_cast %mul3A_190 : i32 to index
      %swap3A_192 = tpu.vector_load %arg10[%swap3A, %swap3A_191] {strides = array<i32>} : memref<8x1536xf32, #tpu.memory_space<vmem>>, vector<16xf32>,
      tpu.vector_store %arg10[%swap3A, %swap3A_191], %add3A_186 {strides = array<i32>} : memref<8x1536xf32, #tpu.memory_space<vmem>>, vector<16xf32>,
      %mul3A_193 = arith.constant 5 : i32
      %mul3A_194 = arith.muli %scan3A_123, %mul3A_193 : i32
      %add3A_195 = arith.constant 128 : i32
      %add3A_196 = arith.addi %add3A_195, %mul3A_194 : i32
      %add3A_197 = arith.constant 0 : i32
      %add3A_198 = arith.addi %add3A_196, %add3A_197 : i32
      %get3A_199 = arith.index_cast %add3A_198 : i32 to index
      %get3A_200 = arith.constant 0 : index
      %get3A_201 = tpu.vector_load %arg8[%get3A_199, %get3A_200] {strides = array<i32>} : memref<768x128xf32, #tpu.memory_space<vmem>>, vector<16xf32>,
      %mul3A_202 = arith.mulf %get3A_126, %get3A_201 : vector<16xf32>
      %get3A_203 = arith.index_cast %add3A_198 : i32 to index
      %get3A_204 = arith.constant 16 : index
      %get3A_205 = tpu.vector_load %arg8[%get3A_203, %get3A_204] {strides = array<i32>} : memref<768x128xf32, #tpu.memory_space<vmem>>, vector<16xf32>,
      %mul3A_206 = arith.mulf %get3A_129, %get3A_205 : vector<16xf32>
      %get3A_207 = arith.index_cast %add3A_198 : i32 to index
      %get3A_208 = arith.constant 32 : index
      %get3A_209 = tpu.vector_load %arg8[%get3A_207, %get3A_208] {strides = array<i32>} : memref<768x128xf32, #tpu.memory_space<vmem>>, vector<16xf32>,
      %mul3A_210 = arith.mulf %get3A_132, %get3A_209 : vector<16xf32>
      %get3A_211 = arith.index_cast %add3A_198 : i32 to index
      %get3A_212 = arith.constant 48 : index
      %get3A_213 = tpu.vector_load %arg8[%get3A_211, %get3A_212] {strides = array<i32>} : memref<768x128xf32, #tpu.memory_space<vmem>>, vector<16xf32>,
      %mul3A_214 = arith.mulf %get3A_135, %get3A_213 : vector<16xf32>
      %get3A_215 = arith.index_cast %add3A_198 : i32 to index
      %get3A_216 = arith.constant 64 : index
      %get3A_217 = tpu.vector_load %arg8[%get3A_215, %get3A_216] {strides = array<i32>} : memref<768x128xf32, #tpu.memory_space<vmem>>, vector<16xf32>,
      %mul3A_218 = arith.mulf %get3A_138, %get3A_217 : vector<16xf32>
      %get3A_219 = arith.index_cast %add3A_198 : i32 to index
      %get3A_220 = arith.constant 80 : index
      %get3A_221 = tpu.vector_load %arg8[%get3A_219, %get3A_220] {strides = array<i32>} : memref<768x128xf32, #tpu.memory_space<vmem>>, vector<16xf32>,
      %mul3A_222 = arith.mulf %get3A_141, %get3A_221 : vector<16xf32>
      %get3A_223 = arith.index_cast %add3A_198 : i32 to index
      %get3A_224 = arith.constant 96 : index
      %get3A_225 = tpu.vector_load %arg8[%get3A_223, %get3A_224] {strides = array<i32>} : memref<768x128xf32, #tpu.memory_space<vmem>>, vector<16xf32>,
      %mul3A_226 = arith.mulf %get3A_144, %get3A_225 : vector<16xf32>
      %get3A_227 = arith.index_cast %add3A_198 : i32 to index
      %get3A_228 = arith.constant 112 : index
      %get3A_229 = tpu.vector_load %arg8[%get3A_227, %get3A_228] {strides = array<i32>} : memref<768x128xf32, #tpu.memory_space<vmem>>, vector<16xf32>,
      %mul3A_230 = arith.mulf %get3A_147, %get3A_229 : vector<16xf32>
      %add3A_231 = arith.addf %mul3A_202, %mul3A_206 : vector<16xf32>
      %add3A_232 = arith.addf %mul3A_210, %mul3A_214 : vector<16xf32>
      %add3A_233 = arith.addf %add3A_231, %add3A_232 : vector<16xf32>
      %add3A_234 = arith.addf %mul3A_218, %mul3A_222 : vector<16xf32>
      %add3A_235 = arith.addf %mul3A_226, %mul3A_230 : vector<16xf32>
      %add3A_236 = arith.addf %add3A_234, %add3A_235 : vector<16xf32>
      %add3A_237 = arith.addf %add3A_233, %add3A_236 : vector<16xf32>
      %neg3A = arith.constant 0.000000e+00 : f32
      %neg3A_238 = vector.broadcast %neg3A : f32 to vector<16xf32>
      %neg3A_239 = arith.subf %neg3A_238, %add3A_237 : vector<16xf32>
      %div3A_240 = arith.constant 96 : i32
      %div3A_241 = arith.divsi %add3A_198, %div3A_240 : i32
      %rem3A_242 = arith.constant 96 : i32
      %rem3A_243 = arith.remsi %add3A_198, %rem3A_242 : i32
      %mul3A_244 = arith.constant 16 : i32
      %mul3A_245 = arith.muli %rem3A_243, %mul3A_244 : i32
      %swap3A_246 = arith.index_cast %div3A_241 : i32 to index
      %swap3A_247 = arith.index_cast %mul3A_245 : i32 to index
      %swap3A_248 = tpu.vector_load %arg10[%swap3A_246, %swap3A_247] {strides = array<i32>} : memref<8x1536xf32, #tpu.memory_space<vmem>>, vector<16xf32>,
      tpu.vector_store %arg10[%swap3A_246, %swap3A_247], %neg3A_239 {strides = array<i32>} : memref<8x1536xf32, #tpu.memory_space<vmem>>, vector<16xf32>,
      %mul3A_249 = arith.constant 5 : i32
      %mul3A_250 = arith.muli %scan3A_123, %mul3A_249 : i32
      %add3A_251 = arith.constant 128 : i32
      %add3A_252 = arith.addi %add3A_251, %mul3A_250 : i32
      %add3A_253 = arith.constant 1 : i32
      %add3A_254 = arith.addi %add3A_252, %add3A_253 : i32
      %get3A_255 = arith.index_cast %add3A_254 : i32 to index
      %get3A_256 = arith.constant 0 : index
      %get3A_257 = tpu.vector_load %arg8[%get3A_255, %get3A_256] {strides = array<i32>} : memref<768x128xf32, #tpu.memory_space<vmem>>, vector<16xf32>,
      %mul3A_258 = arith.mulf %get3A_126, %get3A_257 : vector<16xf32>
      %get3A_259 = arith.index_cast %add3A_254 : i32 to index
      %get3A_260 = arith.constant 16 : index
      %get3A_261 = tpu.vector_load %arg8[%get3A_259, %get3A_260] {strides = array<i32>} : memref<768x128xf32, #tpu.memory_space<vmem>>, vector<16xf32>,
      %mul3A_262 = arith.mulf %get3A_129, %get3A_261 : vector<16xf32>
      %get3A_263 = arith.index_cast %add3A_254 : i32 to index
      %get3A_264 = arith.constant 32 : index
      %get3A_265 = tpu.vector_load %arg8[%get3A_263, %get3A_264] {strides = array<i32>} : memref<768x128xf32, #tpu.memory_space<vmem>>, vector<16xf32>,
      %mul3A_266 = arith.mulf %get3A_132, %get3A_265 : vector<16xf32>
      %get3A_267 = arith.index_cast %add3A_254 : i32 to index
      %get3A_268 = arith.constant 48 : index
      %get3A_269 = tpu.vector_load %arg8[%get3A_267, %get3A_268] {strides = array<i32>} : memref<768x128xf32, #tpu.memory_space<vmem>>, vector<16xf32>,
      %mul3A_270 = arith.mulf %get3A_135, %get3A_269 : vector<16xf32>
      %get3A_271 = arith.index_cast %add3A_254 : i32 to index
      %get3A_272 = arith.constant 64 : index
      %get3A_273 = tpu.vector_load %arg8[%get3A_271, %get3A_272] {strides = array<i32>} : memref<768x128xf32, #tpu.memory_space<vmem>>, vector<16xf32>,
      %mul3A_274 = arith.mulf %get3A_138, %get3A_273 : vector<16xf32>
      %get3A_275 = arith.index_cast %add3A_254 : i32 to index
      %get3A_276 = arith.constant 80 : index
      %get3A_277 = tpu.vector_load %arg8[%get3A_275, %get3A_276] {strides = array<i32>} : memref<768x128xf32, #tpu.memory_space<vmem>>, vector<16xf32>,
      %mul3A_278 = arith.mulf %get3A_141, %get3A_277 : vector<16xf32>
      %get3A_279 = arith.index_cast %add3A_254 : i32 to index
      %get3A_280 = arith.constant 96 : index
      %get3A_281 = tpu.vector_load %arg8[%get3A_279, %get3A_280] {strides = array<i32>} : memref<768x128xf32, #tpu.memory_space<vmem>>, vector<16xf32>,
      %mul3A_282 = arith.mulf %get3A_144, %get3A_281 : vector<16xf32>
      %get3A_283 = arith.index_cast %add3A_254 : i32 to index
      %get3A_284 = arith.constant 112 : index
      %get3A_285 = tpu.vector_load %arg8[%get3A_283, %get3A_284] {strides = array<i32>} : memref<768x128xf32, #tpu.memory_space<vmem>>, vector<16xf32>,
      %mul3A_286 = arith.mulf %get3A_147, %get3A_285 : vector<16xf32>
      %add3A_287 = arith.addf %mul3A_258, %mul3A_262 : vector<16xf32>
      %add3A_288 = arith.addf %mul3A_266, %mul3A_270 : vector<16xf32>
      %add3A_289 = arith.addf %add3A_287, %add3A_288 : vector<16xf32>
      %add3A_290 = arith.addf %mul3A_274, %mul3A_278 : vector<16xf32>
      %add3A_291 = arith.addf %mul3A_282, %mul3A_286 : vector<16xf32>
      %add3A_292 = arith.addf %add3A_290, %add3A_291 : vector<16xf32>
      %add3A_293 = arith.addf %add3A_289, %add3A_292 : vector<16xf32>
      %neg3A_294 = arith.constant 0.000000e+00 : f32
      %neg3A_295 = vector.broadcast %neg3A_294 : f32 to vector<16xf32>
      %neg3A_296 = arith.subf %neg3A_295, %add3A_293 : vector<16xf32>
      %div3A_297 = arith.constant 96 : i32
      %div3A_298 = arith.divsi %add3A_254, %div3A_297 : i32
      %rem3A_299 = arith.constant 96 : i32
      %rem3A_300 = arith.remsi %add3A_254, %rem3A_299 : i32
      %mul3A_301 = arith.constant 16 : i32
      %mul3A_302 = arith.muli %rem3A_300, %mul3A_301 : i32
      %swap3A_303 = arith.index_cast %div3A_298 : i32 to index
      %swap3A_304 = arith.index_cast %mul3A_302 : i32 to index
      %swap3A_305 = tpu.vector_load %arg10[%swap3A_303, %swap3A_304] {strides = array<i32>} : memref<8x1536xf32, #tpu.memory_space<vmem>>, vector<16xf32>,
      tpu.vector_store %arg10[%swap3A_303, %swap3A_304], %neg3A_296 {strides = array<i32>} : memref<8x1536xf32, #tpu.memory_space<vmem>>, vector<16xf32>,
      %mul3A_306 = arith.constant 5 : i32
      %mul3A_307 = arith.muli %scan3A_123, %mul3A_306 : i32
      %add3A_308 = arith.constant 128 : i32
      %add3A_309 = arith.addi %add3A_308, %mul3A_307 : i32
      %add3A_310 = arith.constant 2 : i32
      %add3A_311 = arith.addi %add3A_309, %add3A_310 : i32
      %get3A_312 = arith.index_cast %add3A_311 : i32 to index
      %get3A_313 = arith.constant 0 : index
      %get3A_314 = tpu.vector_load %arg8[%get3A_312, %get3A_313] {strides = array<i32>} : memref<768x128xf32, #tpu.memory_space<vmem>>, vector<16xf32>,
      %mul3A_315 = arith.mulf %get3A_126, %get3A_314 : vector<16xf32>
      %get3A_316 = arith.index_cast %add3A_311 : i32 to index
      %get3A_317 = arith.constant 16 : index
      %get3A_318 = tpu.vector_load %arg8[%get3A_316, %get3A_317] {strides = array<i32>} : memref<768x128xf32, #tpu.memory_space<vmem>>, vector<16xf32>,
      %mul3A_319 = arith.mulf %get3A_129, %get3A_318 : vector<16xf32>
      %get3A_320 = arith.index_cast %add3A_311 : i32 to index
      %get3A_321 = arith.constant 32 : index
      %get3A_322 = tpu.vector_load %arg8[%get3A_320, %get3A_321] {strides = array<i32>} : memref<768x128xf32, #tpu.memory_space<vmem>>, vector<16xf32>,
      %mul3A_323 = arith.mulf %get3A_132, %get3A_322 : vector<16xf32>
      %get3A_324 = arith.index_cast %add3A_311 : i32 to index
      %get3A_325 = arith.constant 48 : index
      %get3A_326 = tpu.vector_load %arg8[%get3A_324, %get3A_325] {strides = array<i32>} : memref<768x128xf32, #tpu.memory_space<vmem>>, vector<16xf32>,
      %mul3A_327 = arith.mulf %get3A_135, %get3A_326 : vector<16xf32>
      %get3A_328 = arith.index_cast %add3A_311 : i32 to index
      %get3A_329 = arith.constant 64 : index
      %get3A_330 = tpu.vector_load %arg8[%get3A_328, %get3A_329] {strides = array<i32>} : memref<768x128xf32, #tpu.memory_space<vmem>>, vector<16xf32>,
      %mul3A_331 = arith.mulf %get3A_138, %get3A_330 : vector<16xf32>
      %get3A_332 = arith.index_cast %add3A_311 : i32 to index
      %get3A_333 = arith.constant 80 : index
      %get3A_334 = tpu.vector_load %arg8[%get3A_332, %get3A_333] {strides = array<i32>} : memref<768x128xf32, #tpu.memory_space<vmem>>, vector<16xf32>,
      %mul3A_335 = arith.mulf %get3A_141, %get3A_334 : vector<16xf32>
      %get3A_336 = arith.index_cast %add3A_311 : i32 to index
      %get3A_337 = arith.constant 96 : index
      %get3A_338 = tpu.vector_load %arg8[%get3A_336, %get3A_337] {strides = array<i32>} : memref<768x128xf32, #tpu.memory_space<vmem>>, vector<16xf32>,
      %mul3A_339 = arith.mulf %get3A_144, %get3A_338 : vector<16xf32>
      %get3A_340 = arith.index_cast %add3A_311 : i32 to index
      %get3A_341 = arith.constant 112 : index
      %get3A_342 = tpu.vector_load %arg8[%get3A_340, %get3A_341] {strides = array<i32>} : memref<768x128xf32, #tpu.memory_space<vmem>>, vector<16xf32>,
      %mul3A_343 = arith.mulf %get3A_147, %get3A_342 : vector<16xf32>
      %add3A_344 = arith.addf %mul3A_315, %mul3A_319 : vector<16xf32>
      %add3A_345 = arith.addf %mul3A_323, %mul3A_327 : vector<16xf32>
      %add3A_346 = arith.addf %add3A_344, %add3A_345 : vector<16xf32>
      %add3A_347 = arith.addf %mul3A_331, %mul3A_335 : vector<16xf32>
      %add3A_348 = arith.addf %mul3A_339, %mul3A_343 : vector<16xf32>
      %add3A_349 = arith.addf %add3A_347, %add3A_348 : vector<16xf32>
      %add3A_350 = arith.addf %add3A_346, %add3A_349 : vector<16xf32>
      %neg3A_351 = arith.constant 0.000000e+00 : f32
      %neg3A_352 = vector.broadcast %neg3A_351 : f32 to vector<16xf32>
      %neg3A_353 = arith.subf %neg3A_352, %add3A_350 : vector<16xf32>
      %div3A_354 = arith.constant 96 : i32
      %div3A_355 = arith.divsi %add3A_311, %div3A_354 : i32
      %rem3A_356 = arith.constant 96 : i32
      %rem3A_357 = arith.remsi %add3A_311, %rem3A_356 : i32
      %mul3A_358 = arith.constant 16 : i32
      %mul3A_359 = arith.muli %rem3A_357, %mul3A_358 : i32
      %swap3A_360 = arith.index_cast %div3A_355 : i32 to index
      %swap3A_361 = arith.index_cast %mul3A_359 : i32 to index
      %swap3A_362 = tpu.vector_load %arg10[%swap3A_360, %swap3A_361] {strides = array<i32>} : memref<8x1536xf32, #tpu.memory_space<vmem>>, vector<16xf32>,
      tpu.vector_store %arg10[%swap3A_360, %swap3A_361], %neg3A_353 {strides = array<i32>} : memref<8x1536xf32, #tpu.memory_space<vmem>>, vector<16xf32>,
      %mul3A_363 = arith.constant 5 : i32
      %mul3A_364 = arith.muli %scan3A_123, %mul3A_363 : i32
      %add3A_365 = arith.constant 128 : i32
      %add3A_366 = arith.addi %add3A_365, %mul3A_364 : i32
      %add3A_367 = arith.constant 3 : i32
      %add3A_368 = arith.addi %add3A_366, %add3A_367 : i32
      %get3A_369 = arith.index_cast %add3A_368 : i32 to index
      %get3A_370 = arith.constant 0 : index
      %get3A_371 = tpu.vector_load %arg8[%get3A_369, %get3A_370] {strides = array<i32>} : memref<768x128xf32, #tpu.memory_space<vmem>>, vector<16xf32>,
      %mul3A_372 = arith.mulf %get3A_126, %get3A_371 : vector<16xf32>
      %get3A_373 = arith.index_cast %add3A_368 : i32 to index
      %get3A_374 = arith.constant 16 : index
      %get3A_375 = tpu.vector_load %arg8[%get3A_373, %get3A_374] {strides = array<i32>} : memref<768x128xf32, #tpu.memory_space<vmem>>, vector<16xf32>,
      %mul3A_376 = arith.mulf %get3A_129, %get3A_375 : vector<16xf32>
      %get3A_377 = arith.index_cast %add3A_368 : i32 to index
      %get3A_378 = arith.constant 32 : index
      %get3A_379 = tpu.vector_load %arg8[%get3A_377, %get3A_378] {strides = array<i32>} : memref<768x128xf32, #tpu.memory_space<vmem>>, vector<16xf32>,
      %mul3A_380 = arith.mulf %get3A_132, %get3A_379 : vector<16xf32>
      %get3A_381 = arith.index_cast %add3A_368 : i32 to index
      %get3A_382 = arith.constant 48 : index
      %get3A_383 = tpu.vector_load %arg8[%get3A_381, %get3A_382] {strides = array<i32>} : memref<768x128xf32, #tpu.memory_space<vmem>>, vector<16xf32>,
      %mul3A_384 = arith.mulf %get3A_135, %get3A_383 : vector<16xf32>
      %get3A_385 = arith.index_cast %add3A_368 : i32 to index
      %get3A_386 = arith.constant 64 : index
      %get3A_387 = tpu.vector_load %arg8[%get3A_385, %get3A_386] {strides = array<i32>} : memref<768x128xf32, #tpu.memory_space<vmem>>, vector<16xf32>,
      %mul3A_388 = arith.mulf %get3A_138, %get3A_387 : vector<16xf32>
      %get3A_389 = arith.index_cast %add3A_368 : i32 to index
      %get3A_390 = arith.constant 80 : index
      %get3A_391 = tpu.vector_load %arg8[%get3A_389, %get3A_390] {strides = array<i32>} : memref<768x128xf32, #tpu.memory_space<vmem>>, vector<16xf32>,
      %mul3A_392 = arith.mulf %get3A_141, %get3A_391 : vector<16xf32>
      %get3A_393 = arith.index_cast %add3A_368 : i32 to index
      %get3A_394 = arith.constant 96 : index
      %get3A_395 = tpu.vector_load %arg8[%get3A_393, %get3A_394] {strides = array<i32>} : memref<768x128xf32, #tpu.memory_space<vmem>>, vector<16xf32>,
      %mul3A_396 = arith.mulf %get3A_144, %get3A_395 : vector<16xf32>
      %get3A_397 = arith.index_cast %add3A_368 : i32 to index
      %get3A_398 = arith.constant 112 : index
      %get3A_399 = tpu.vector_load %arg8[%get3A_397, %get3A_398] {strides = array<i32>} : memref<768x128xf32, #tpu.memory_space<vmem>>, vector<16xf32>,
      %mul3A_400 = arith.mulf %get3A_147, %get3A_399 : vector<16xf32>
      %add3A_401 = arith.addf %mul3A_372, %mul3A_376 : vector<16xf32>
      %add3A_402 = arith.addf %mul3A_380, %mul3A_384 : vector<16xf32>
      %add3A_403 = arith.addf %add3A_401, %add3A_402 : vector<16xf32>
      %add3A_404 = arith.addf %mul3A_388, %mul3A_392 : vector<16xf32>
      %add3A_405 = arith.addf %mul3A_396, %mul3A_400 : vector<16xf32>
      %add3A_406 = arith.addf %add3A_404, %add3A_405 : vector<16xf32>
      %add3A_407 = arith.addf %add3A_403, %add3A_406 : vector<16xf32>
      %neg3A_408 = arith.constant 0.000000e+00 : f32
      %neg3A_409 = vector.broadcast %neg3A_408 : f32 to vector<16xf32>
      %neg3A_410 = arith.subf %neg3A_409, %add3A_407 : vector<16xf32>
      %div3A_411 = arith.constant 96 : i32
      %div3A_412 = arith.divsi %add3A_368, %div3A_411 : i32
      %rem3A_413 = arith.constant 96 : i32
      %rem3A_414 = arith.remsi %add3A_368, %rem3A_413 : i32
      %mul3A_415 = arith.constant 16 : i32
      %mul3A_416 = arith.muli %rem3A_414, %mul3A_415 : i32
      %swap3A_417 = arith.index_cast %div3A_412 : i32 to index
      %swap3A_418 = arith.index_cast %mul3A_416 : i32 to index
      %swap3A_419 = tpu.vector_load %arg10[%swap3A_417, %swap3A_418] {strides = array<i32>} : memref<8x1536xf32, #tpu.memory_space<vmem>>, vector<16xf32>,
      tpu.vector_store %arg10[%swap3A_417, %swap3A_418], %neg3A_410 {strides = array<i32>} : memref<8x1536xf32, #tpu.memory_space<vmem>>, vector<16xf32>,
      %mul3A_420 = arith.constant 5 : i32
      %mul3A_421 = arith.muli %scan3A_123, %mul3A_420 : i32
      %add3A_422 = arith.constant 128 : i32
      %add3A_423 = arith.addi %add3A_422, %mul3A_421 : i32
      %add3A_424 = arith.constant 4 : i32
      %add3A_425 = arith.addi %add3A_423, %add3A_424 : i32
      %get3A_426 = arith.index_cast %add3A_425 : i32 to index
      %get3A_427 = arith.constant 0 : index
      %get3A_428 = tpu.vector_load %arg8[%get3A_426, %get3A_427] {strides = array<i32>} : memref<768x128xf32, #tpu.memory_space<vmem>>, vector<16xf32>,
      %mul3A_429 = arith.mulf %get3A_126, %get3A_428 : vector<16xf32>
      %get3A_430 = arith.index_cast %add3A_425 : i32 to index
      %get3A_431 = arith.constant 16 : index
      %get3A_432 = tpu.vector_load %arg8[%get3A_430, %get3A_431] {strides = array<i32>} : memref<768x128xf32, #tpu.memory_space<vmem>>, vector<16xf32>,
      %mul3A_433 = arith.mulf %get3A_129, %get3A_432 : vector<16xf32>
      %get3A_434 = arith.index_cast %add3A_425 : i32 to index
      %get3A_435 = arith.constant 32 : index
      %get3A_436 = tpu.vector_load %arg8[%get3A_434, %get3A_435] {strides = array<i32>} : memref<768x128xf32, #tpu.memory_space<vmem>>, vector<16xf32>,
      %mul3A_437 = arith.mulf %get3A_132, %get3A_436 : vector<16xf32>
      %get3A_438 = arith.index_cast %add3A_425 : i32 to index
      %get3A_439 = arith.constant 48 : index
      %get3A_440 = tpu.vector_load %arg8[%get3A_438, %get3A_439] {strides = array<i32>} : memref<768x128xf32, #tpu.memory_space<vmem>>, vector<16xf32>,
      %mul3A_441 = arith.mulf %get3A_135, %get3A_440 : vector<16xf32>
      %get3A_442 = arith.index_cast %add3A_425 : i32 to index
      %get3A_443 = arith.constant 64 : index
      %get3A_444 = tpu.vector_load %arg8[%get3A_442, %get3A_443] {strides = array<i32>} : memref<768x128xf32, #tpu.memory_space<vmem>>, vector<16xf32>,
      %mul3A_445 = arith.mulf %get3A_138, %get3A_444 : vector<16xf32>
      %get3A_446 = arith.index_cast %add3A_425 : i32 to index
      %get3A_447 = arith.constant 80 : index
      %get3A_448 = tpu.vector_load %arg8[%get3A_446, %get3A_447] {strides = array<i32>} : memref<768x128xf32, #tpu.memory_space<vmem>>, vector<16xf32>,
      %mul3A_449 = arith.mulf %get3A_141, %get3A_448 : vector<16xf32>
      %get3A_450 = arith.index_cast %add3A_425 : i32 to index
      %get3A_451 = arith.constant 96 : index
      %get3A_452 = tpu.vector_load %arg8[%get3A_450, %get3A_451] {strides = array<i32>} : memref<768x128xf32, #tpu.memory_space<vmem>>, vector<16xf32>,
      %mul3A_453 = arith.mulf %get3A_144, %get3A_452 : vector<16xf32>
      %get3A_454 = arith.index_cast %add3A_425 : i32 to index
      %get3A_455 = arith.constant 112 : index
      %get3A_456 = tpu.vector_load %arg8[%get3A_454, %get3A_455] {strides = array<i32>} : memref<768x128xf32, #tpu.memory_space<vmem>>, vector<16xf32>,
      %mul3A_457 = arith.mulf %get3A_147, %get3A_456 : vector<16xf32>
      %add3A_458 = arith.addf %mul3A_429, %mul3A_433 : vector<16xf32>
      %add3A_459 = arith.addf %mul3A_437, %mul3A_441 : vector<16xf32>
      %add3A_460 = arith.addf %add3A_458, %add3A_459 : vector<16xf32>
      %add3A_461 = arith.addf %mul3A_445, %mul3A_449 : vector<16xf32>
      %add3A_462 = arith.addf %mul3A_453, %mul3A_457 : vector<16xf32>
      %add3A_463 = arith.addf %add3A_461, %add3A_462 : vector<16xf32>
      %add3A_464 = arith.addf %add3A_460, %add3A_463 : vector<16xf32>
      %neg3A_465 = arith.constant 0.000000e+00 : f32
      %neg3A_466 = vector.broadcast %neg3A_465 : f32 to vector<16xf32>
      %neg3A_467 = arith.subf %neg3A_466, %add3A_464 : vector<16xf32>
      %div3A_468 = arith.constant 96 : i32
      %div3A_469 = arith.divsi %add3A_425, %div3A_468 : i32
      %rem3A_470 = arith.constant 96 : i32
      %rem3A_471 = arith.remsi %add3A_425, %rem3A_470 : i32
      %mul3A_472 = arith.constant 16 : i32
      %mul3A_473 = arith.muli %rem3A_471, %mul3A_472 : i32
      %swap3A_474 = arith.index_cast %div3A_469 : i32 to index
      %swap3A_475 = arith.index_cast %mul3A_473 : i32 to index
      %swap3A_476 = tpu.vector_load %arg10[%swap3A_474, %swap3A_475] {strides = array<i32>} : memref<8x1536xf32, #tpu.memory_space<vmem>>, vector<16xf32>,
      tpu.vector_store %arg10[%swap3A_474, %swap3A_475], %neg3A_467 {strides = array<i32>} : memref<8x1536xf32, #tpu.memory_space<vmem>>, vector<16xf32>,
      %scan3A_477 = arith.constant 0 : i32
      scf.yield %scan3A_477 : i32
    }
    %scan3A_90 = arith.constant 51 : i32
    %dma_wait3A_91 = arith.constant 384 : i32
    %dma_wait3A_92 = arith.constant 0 : i32
    %dma_wait3A_93 = tpu.memref_slice %arg8[%dma_wait3A_91, %dma_wait3A_92] : memref<768x128xf32, #tpu.memory_space<vmem>> -> memref<256x128xf32, #tpu.memory_space<vmem>>
    %dma_wait3A_94 = arith.constant 384 : i32
    %dma_wait3A_95 = tpu.memref_slice %arg7[%dma_wait3A_94] : memref<768xi32, #tpu.memory_space<vmem>> -> memref<256xi32, #tpu.memory_space<vmem>>
    %dma_wait3A_96 = arith.constant 0 : i32
    %dma_wait3A_97 = arith.constant 0 : i32
    %dma_wait3A_98 = tpu.memref_slice %arg2[%dma_wait3A_96, %dma_wait3A_97] : memref<100000x128xf32, #tpu.memory_space<hbm>> -> memref<100000x128xf32, #tpu.memory_space<hbm>>
    tpu.wait_indirect_dma semaphore(%arg11 : memref<!tpu.dma_semaphore, #tpu.memory_space<semaphore_mem>>) src(%dma_wait3A_98 : memref<100000x128xf32, #tpu.memory_space<hbm>>) dst(%dma_wait3A_93 : memref<256x128xf32, #tpu.memory_space<vmem>>)
    %scan3A_99 = arith.constant 0 : i32
    %scan3A_100 = arith.constant 51 : i32
    %scan3A_101 = arith.constant 51 : i32
    %scan3A_102 = arith.addi %scan3A_100, %scan3A_101 : i32
    %scan3A_103 = arith.constant 1 : i32
    %scan3A_104 = scf.for %scan3A_123 = %scan3A_100 to %scan3A_102 step %scan3A_103 iter_args(%scan3A_124 = %scan3A_99) -> (i32)  : i32 {
      %get3A = arith.index_cast %scan3A_123 : i32 to index
      %get3A_125 = arith.constant 0 : index
      %get3A_126 = tpu.vector_load %arg9[%get3A, %get3A_125] {strides = array<i32>} : memref<128x128xf32, #tpu.memory_space<vmem>>, vector<16xf32>,
      %get3A_127 = arith.index_cast %scan3A_123 : i32 to index
      %get3A_128 = arith.constant 16 : index
      %get3A_129 = tpu.vector_load %arg9[%get3A_127, %get3A_128] {strides = array<i32>} : memref<128x128xf32, #tpu.memory_space<vmem>>, vector<16xf32>,
      %get3A_130 = arith.index_cast %scan3A_123 : i32 to index
      %get3A_131 = arith.constant 32 : index
      %get3A_132 = tpu.vector_load %arg9[%get3A_130, %get3A_131] {strides = array<i32>} : memref<128x128xf32, #tpu.memory_space<vmem>>, vector<16xf32>,
      %get3A_133 = arith.index_cast %scan3A_123 : i32 to index
      %get3A_134 = arith.constant 48 : index
      %get3A_135 = tpu.vector_load %arg9[%get3A_133, %get3A_134] {strides = array<i32>} : memref<128x128xf32, #tpu.memory_space<vmem>>, vector<16xf32>,
      %get3A_136 = arith.index_cast %scan3A_123 : i32 to index
      %get3A_137 = arith.constant 64 : index
      %get3A_138 = tpu.vector_load %arg9[%get3A_136, %get3A_137] {strides = array<i32>} : memref<128x128xf32, #tpu.memory_space<vmem>>, vector<16xf32>,
      %get3A_139 = arith.index_cast %scan3A_123 : i32 to index
      %get3A_140 = arith.constant 80 : index
      %get3A_141 = tpu.vector_load %arg9[%get3A_139, %get3A_140] {strides = array<i32>} : memref<128x128xf32, #tpu.memory_space<vmem>>, vector<16xf32>,
      %get3A_142 = arith.index_cast %scan3A_123 : i32 to index
      %get3A_143 = arith.constant 96 : index
      %get3A_144 = tpu.vector_load %arg9[%get3A_142, %get3A_143] {strides = array<i32>} : memref<128x128xf32, #tpu.memory_space<vmem>>, vector<16xf32>,
      %get3A_145 = arith.index_cast %scan3A_123 : i32 to index
      %get3A_146 = arith.constant 112 : index
      %get3A_147 = tpu.vector_load %arg9[%get3A_145, %get3A_146] {strides = array<i32>} : memref<128x128xf32, #tpu.memory_space<vmem>>, vector<16xf32>,
      %get3A_148 = arith.index_cast %scan3A_123 : i32 to index
      %get3A_149 = arith.constant 0 : index
      %get3A_150 = tpu.vector_load %arg8[%get3A_148, %get3A_149] {strides = array<i32>} : memref<768x128xf32, #tpu.memory_space<vmem>>, vector<16xf32>,
      %mul3A_151 = arith.mulf %get3A_126, %get3A_150 : vector<16xf32>
      %get3A_152 = arith.index_cast %scan3A_123 : i32 to index
      %get3A_153 = arith.constant 16 : index
      %get3A_154 = tpu.vector_load %arg8[%get3A_152, %get3A_153] {strides = array<i32>} : memref<768x128xf32, #tpu.memory_space<vmem>>, vector<16xf32>,
      %mul3A_155 = arith.mulf %get3A_129, %get3A_154 : vector<16xf32>
      %get3A_156 = arith.index_cast %scan3A_123 : i32 to index
      %get3A_157 = arith.constant 32 : index
      %get3A_158 = tpu.vector_load %arg8[%get3A_156, %get3A_157] {strides = array<i32>} : memref<768x128xf32, #tpu.memory_space<vmem>>, vector<16xf32>,
      %mul3A_159 = arith.mulf %get3A_132, %get3A_158 : vector<16xf32>
      %get3A_160 = arith.index_cast %scan3A_123 : i32 to index
      %get3A_161 = arith.constant 48 : index
      %get3A_162 = tpu.vector_load %arg8[%get3A_160, %get3A_161] {strides = array<i32>} : memref<768x128xf32, #tpu.memory_space<vmem>>, vector<16xf32>,
      %mul3A_163 = arith.mulf %get3A_135, %get3A_162 : vector<16xf32>
      %get3A_164 = arith.index_cast %scan3A_123 : i32 to index
      %get3A_165 = arith.constant 64 : index
      %get3A_166 = tpu.vector_load %arg8[%get3A_164, %get3A_165] {strides = array<i32>} : memref<768x128xf32, #tpu.memory_space<vmem>>, vector<16xf32>,
      %mul3A_167 = arith.mulf %get3A_138, %get3A_166 : vector<16xf32>
      %get3A_168 = arith.index_cast %scan3A_123 : i32 to index
      %get3A_169 = arith.constant 80 : index
      %get3A_170 = tpu.vector_load %arg8[%get3A_168, %get3A_169] {strides = array<i32>} : memref<768x128xf32, #tpu.memory_space<vmem>>, vector<16xf32>,
      %mul3A_171 = arith.mulf %get3A_141, %get3A_170 : vector<16xf32>
      %get3A_172 = arith.index_cast %scan3A_123 : i32 to index
      %get3A_173 = arith.constant 96 : index
      %get3A_174 = tpu.vector_load %arg8[%get3A_172, %get3A_173] {strides = array<i32>} : memref<768x128xf32, #tpu.memory_space<vmem>>, vector<16xf32>,
      %mul3A_175 = arith.mulf %get3A_144, %get3A_174 : vector<16xf32>
      %get3A_176 = arith.index_cast %scan3A_123 : i32 to index
      %get3A_177 = arith.constant 112 : index
      %get3A_178 = tpu.vector_load %arg8[%get3A_176, %get3A_177] {strides = array<i32>} : memref<768x128xf32, #tpu.memory_space<vmem>>, vector<16xf32>,
      %mul3A_179 = arith.mulf %get3A_147, %get3A_178 : vector<16xf32>
      %add3A_180 = arith.addf %mul3A_151, %mul3A_155 : vector<16xf32>
      %add3A_181 = arith.addf %mul3A_159, %mul3A_163 : vector<16xf32>
      %add3A_182 = arith.addf %add3A_180, %add3A_181 : vector<16xf32>
      %add3A_183 = arith.addf %mul3A_167, %mul3A_171 : vector<16xf32>
      %add3A_184 = arith.addf %mul3A_175, %mul3A_179 : vector<16xf32>
      %add3A_185 = arith.addf %add3A_183, %add3A_184 : vector<16xf32>
      %add3A_186 = arith.addf %add3A_182, %add3A_185 : vector<16xf32>
      %div3A = arith.constant 96 : i32
      %div3A_187 = arith.divsi %scan3A_123, %div3A : i32
      %rem3A = arith.constant 96 : i32
      %rem3A_188 = arith.remsi %scan3A_123, %rem3A : i32
      %mul3A_189 = arith.constant 16 : i32
      %mul3A_190 = arith.muli %rem3A_188, %mul3A_189 : i32
      %swap3A = arith.index_cast %div3A_187 : i32 to index
      %swap3A_191 = arith.index_cast %mul3A_190 : i32 to index
      %swap3A_192 = tpu.vector_load %arg10[%swap3A, %swap3A_191] {strides = array<i32>} : memref<8x1536xf32, #tpu.memory_space<vmem>>, vector<16xf32>,
      tpu.vector_store %arg10[%swap3A, %swap3A_191], %add3A_186 {strides = array<i32>} : memref<8x1536xf32, #tpu.memory_space<vmem>>, vector<16xf32>,
      %mul3A_193 = arith.constant 5 : i32
      %mul3A_194 = arith.muli %scan3A_123, %mul3A_193 : i32
      %add3A_195 = arith.constant 128 : i32
      %add3A_196 = arith.addi %add3A_195, %mul3A_194 : i32
      %add3A_197 = arith.constant 0 : i32
      %add3A_198 = arith.addi %add3A_196, %add3A_197 : i32
      %get3A_199 = arith.index_cast %add3A_198 : i32 to index
      %get3A_200 = arith.constant 0 : index
      %get3A_201 = tpu.vector_load %arg8[%get3A_199, %get3A_200] {strides = array<i32>} : memref<768x128xf32, #tpu.memory_space<vmem>>, vector<16xf32>,
      %mul3A_202 = arith.mulf %get3A_126, %get3A_201 : vector<16xf32>
      %get3A_203 = arith.index_cast %add3A_198 : i32 to index
      %get3A_204 = arith.constant 16 : index
      %get3A_205 = tpu.vector_load %arg8[%get3A_203, %get3A_204] {strides = array<i32>} : memref<768x128xf32, #tpu.memory_space<vmem>>, vector<16xf32>,
      %mul3A_206 = arith.mulf %get3A_129, %get3A_205 : vector<16xf32>
      %get3A_207 = arith.index_cast %add3A_198 : i32 to index
      %get3A_208 = arith.constant 32 : index
      %get3A_209 = tpu.vector_load %arg8[%get3A_207, %get3A_208] {strides = array<i32>} : memref<768x128xf32, #tpu.memory_space<vmem>>, vector<16xf32>,
      %mul3A_210 = arith.mulf %get3A_132, %get3A_209 : vector<16xf32>
      %get3A_211 = arith.index_cast %add3A_198 : i32 to index
      %get3A_212 = arith.constant 48 : index
      %get3A_213 = tpu.vector_load %arg8[%get3A_211, %get3A_212] {strides = array<i32>} : memref<768x128xf32, #tpu.memory_space<vmem>>, vector<16xf32>,
      %mul3A_214 = arith.mulf %get3A_135, %get3A_213 : vector<16xf32>
      %get3A_215 = arith.index_cast %add3A_198 : i32 to index
      %get3A_216 = arith.constant 64 : index
      %get3A_217 = tpu.vector_load %arg8[%get3A_215, %get3A_216] {strides = array<i32>} : memref<768x128xf32, #tpu.memory_space<vmem>>, vector<16xf32>,
      %mul3A_218 = arith.mulf %get3A_138, %get3A_217 : vector<16xf32>
      %get3A_219 = arith.index_cast %add3A_198 : i32 to index
      %get3A_220 = arith.constant 80 : index
      %get3A_221 = tpu.vector_load %arg8[%get3A_219, %get3A_220] {strides = array<i32>} : memref<768x128xf32, #tpu.memory_space<vmem>>, vector<16xf32>,
      %mul3A_222 = arith.mulf %get3A_141, %get3A_221 : vector<16xf32>
      %get3A_223 = arith.index_cast %add3A_198 : i32 to index
      %get3A_224 = arith.constant 96 : index
      %get3A_225 = tpu.vector_load %arg8[%get3A_223, %get3A_224] {strides = array<i32>} : memref<768x128xf32, #tpu.memory_space<vmem>>, vector<16xf32>,
      %mul3A_226 = arith.mulf %get3A_144, %get3A_225 : vector<16xf32>
      %get3A_227 = arith.index_cast %add3A_198 : i32 to index
      %get3A_228 = arith.constant 112 : index
      %get3A_229 = tpu.vector_load %arg8[%get3A_227, %get3A_228] {strides = array<i32>} : memref<768x128xf32, #tpu.memory_space<vmem>>, vector<16xf32>,
      %mul3A_230 = arith.mulf %get3A_147, %get3A_229 : vector<16xf32>
      %add3A_231 = arith.addf %mul3A_202, %mul3A_206 : vector<16xf32>
      %add3A_232 = arith.addf %mul3A_210, %mul3A_214 : vector<16xf32>
      %add3A_233 = arith.addf %add3A_231, %add3A_232 : vector<16xf32>
      %add3A_234 = arith.addf %mul3A_218, %mul3A_222 : vector<16xf32>
      %add3A_235 = arith.addf %mul3A_226, %mul3A_230 : vector<16xf32>
      %add3A_236 = arith.addf %add3A_234, %add3A_235 : vector<16xf32>
      %add3A_237 = arith.addf %add3A_233, %add3A_236 : vector<16xf32>
      %neg3A = arith.constant 0.000000e+00 : f32
      %neg3A_238 = vector.broadcast %neg3A : f32 to vector<16xf32>
      %neg3A_239 = arith.subf %neg3A_238, %add3A_237 : vector<16xf32>
      %div3A_240 = arith.constant 96 : i32
      %div3A_241 = arith.divsi %add3A_198, %div3A_240 : i32
      %rem3A_242 = arith.constant 96 : i32
      %rem3A_243 = arith.remsi %add3A_198, %rem3A_242 : i32
      %mul3A_244 = arith.constant 16 : i32
      %mul3A_245 = arith.muli %rem3A_243, %mul3A_244 : i32
      %swap3A_246 = arith.index_cast %div3A_241 : i32 to index
      %swap3A_247 = arith.index_cast %mul3A_245 : i32 to index
      %swap3A_248 = tpu.vector_load %arg10[%swap3A_246, %swap3A_247] {strides = array<i32>} : memref<8x1536xf32, #tpu.memory_space<vmem>>, vector<16xf32>,
      tpu.vector_store %arg10[%swap3A_246, %swap3A_247], %neg3A_239 {strides = array<i32>} : memref<8x1536xf32, #tpu.memory_space<vmem>>, vector<16xf32>,
      %mul3A_249 = arith.constant 5 : i32
      %mul3A_250 = arith.muli %scan3A_123, %mul3A_249 : i32
      %add3A_251 = arith.constant 128 : i32
      %add3A_252 = arith.addi %add3A_251, %mul3A_250 : i32
      %add3A_253 = arith.constant 1 : i32
      %add3A_254 = arith.addi %add3A_252, %add3A_253 : i32
      %get3A_255 = arith.index_cast %add3A_254 : i32 to index
      %get3A_256 = arith.constant 0 : index
      %get3A_257 = tpu.vector_load %arg8[%get3A_255, %get3A_256] {strides = array<i32>} : memref<768x128xf32, #tpu.memory_space<vmem>>, vector<16xf32>,
      %mul3A_258 = arith.mulf %get3A_126, %get3A_257 : vector<16xf32>
      %get3A_259 = arith.index_cast %add3A_254 : i32 to index
      %get3A_260 = arith.constant 16 : index
      %get3A_261 = tpu.vector_load %arg8[%get3A_259, %get3A_260] {strides = array<i32>} : memref<768x128xf32, #tpu.memory_space<vmem>>, vector<16xf32>,
      %mul3A_262 = arith.mulf %get3A_129, %get3A_261 : vector<16xf32>
      %get3A_263 = arith.index_cast %add3A_254 : i32 to index
      %get3A_264 = arith.constant 32 : index
      %get3A_265 = tpu.vector_load %arg8[%get3A_263, %get3A_264] {strides = array<i32>} : memref<768x128xf32, #tpu.memory_space<vmem>>, vector<16xf32>,
      %mul3A_266 = arith.mulf %get3A_132, %get3A_265 : vector<16xf32>
      %get3A_267 = arith.index_cast %add3A_254 : i32 to index
      %get3A_268 = arith.constant 48 : index
      %get3A_269 = tpu.vector_load %arg8[%get3A_267, %get3A_268] {strides = array<i32>} : memref<768x128xf32, #tpu.memory_space<vmem>>, vector<16xf32>,
      %mul3A_270 = arith.mulf %get3A_135, %get3A_269 : vector<16xf32>
      %get3A_271 = arith.index_cast %add3A_254 : i32 to index
      %get3A_272 = arith.constant 64 : index
      %get3A_273 = tpu.vector_load %arg8[%get3A_271, %get3A_272] {strides = array<i32>} : memref<768x128xf32, #tpu.memory_space<vmem>>, vector<16xf32>,
      %mul3A_274 = arith.mulf %get3A_138, %get3A_273 : vector<16xf32>
      %get3A_275 = arith.index_cast %add3A_254 : i32 to index
      %get3A_276 = arith.constant 80 : index
      %get3A_277 = tpu.vector_load %arg8[%get3A_275, %get3A_276] {strides = array<i32>} : memref<768x128xf32, #tpu.memory_space<vmem>>, vector<16xf32>,
      %mul3A_278 = arith.mulf %get3A_141, %get3A_277 : vector<16xf32>
      %get3A_279 = arith.index_cast %add3A_254 : i32 to index
      %get3A_280 = arith.constant 96 : index
      %get3A_281 = tpu.vector_load %arg8[%get3A_279, %get3A_280] {strides = array<i32>} : memref<768x128xf32, #tpu.memory_space<vmem>>, vector<16xf32>,
      %mul3A_282 = arith.mulf %get3A_144, %get3A_281 : vector<16xf32>
      %get3A_283 = arith.index_cast %add3A_254 : i32 to index
      %get3A_284 = arith.constant 112 : index
      %get3A_285 = tpu.vector_load %arg8[%get3A_283, %get3A_284] {strides = array<i32>} : memref<768x128xf32, #tpu.memory_space<vmem>>, vector<16xf32>,
      %mul3A_286 = arith.mulf %get3A_147, %get3A_285 : vector<16xf32>
      %add3A_287 = arith.addf %mul3A_258, %mul3A_262 : vector<16xf32>
      %add3A_288 = arith.addf %mul3A_266, %mul3A_270 : vector<16xf32>
      %add3A_289 = arith.addf %add3A_287, %add3A_288 : vector<16xf32>
      %add3A_290 = arith.addf %mul3A_274, %mul3A_278 : vector<16xf32>
      %add3A_291 = arith.addf %mul3A_282, %mul3A_286 : vector<16xf32>
      %add3A_292 = arith.addf %add3A_290, %add3A_291 : vector<16xf32>
      %add3A_293 = arith.addf %add3A_289, %add3A_292 : vector<16xf32>
      %neg3A_294 = arith.constant 0.000000e+00 : f32
      %neg3A_295 = vector.broadcast %neg3A_294 : f32 to vector<16xf32>
      %neg3A_296 = arith.subf %neg3A_295, %add3A_293 : vector<16xf32>
      %div3A_297 = arith.constant 96 : i32
      %div3A_298 = arith.divsi %add3A_254, %div3A_297 : i32
      %rem3A_299 = arith.constant 96 : i32
      %rem3A_300 = arith.remsi %add3A_254, %rem3A_299 : i32
      %mul3A_301 = arith.constant 16 : i32
      %mul3A_302 = arith.muli %rem3A_300, %mul3A_301 : i32
      %swap3A_303 = arith.index_cast %div3A_298 : i32 to index
      %swap3A_304 = arith.index_cast %mul3A_302 : i32 to index
      %swap3A_305 = tpu.vector_load %arg10[%swap3A_303, %swap3A_304] {strides = array<i32>} : memref<8x1536xf32, #tpu.memory_space<vmem>>, vector<16xf32>,
      tpu.vector_store %arg10[%swap3A_303, %swap3A_304], %neg3A_296 {strides = array<i32>} : memref<8x1536xf32, #tpu.memory_space<vmem>>, vector<16xf32>,
      %mul3A_306 = arith.constant 5 : i32
      %mul3A_307 = arith.muli %scan3A_123, %mul3A_306 : i32
      %add3A_308 = arith.constant 128 : i32
      %add3A_309 = arith.addi %add3A_308, %mul3A_307 : i32
      %add3A_310 = arith.constant 2 : i32
      %add3A_311 = arith.addi %add3A_309, %add3A_310 : i32
      %get3A_312 = arith.index_cast %add3A_311 : i32 to index
      %get3A_313 = arith.constant 0 : index
      %get3A_314 = tpu.vector_load %arg8[%get3A_312, %get3A_313] {strides = array<i32>} : memref<768x128xf32, #tpu.memory_space<vmem>>, vector<16xf32>,
      %mul3A_315 = arith.mulf %get3A_126, %get3A_314 : vector<16xf32>
      %get3A_316 = arith.index_cast %add3A_311 : i32 to index
      %get3A_317 = arith.constant 16 : index
      %get3A_318 = tpu.vector_load %arg8[%get3A_316, %get3A_317] {strides = array<i32>} : memref<768x128xf32, #tpu.memory_space<vmem>>, vector<16xf32>,
      %mul3A_319 = arith.mulf %get3A_129, %get3A_318 : vector<16xf32>
      %get3A_320 = arith.index_cast %add3A_311 : i32 to index
      %get3A_321 = arith.constant 32 : index
      %get3A_322 = tpu.vector_load %arg8[%get3A_320, %get3A_321] {strides = array<i32>} : memref<768x128xf32, #tpu.memory_space<vmem>>, vector<16xf32>,
      %mul3A_323 = arith.mulf %get3A_132, %get3A_322 : vector<16xf32>
      %get3A_324 = arith.index_cast %add3A_311 : i32 to index
      %get3A_325 = arith.constant 48 : index
      %get3A_326 = tpu.vector_load %arg8[%get3A_324, %get3A_325] {strides = array<i32>} : memref<768x128xf32, #tpu.memory_space<vmem>>, vector<16xf32>,
      %mul3A_327 = arith.mulf %get3A_135, %get3A_326 : vector<16xf32>
      %get3A_328 = arith.index_cast %add3A_311 : i32 to index
      %get3A_329 = arith.constant 64 : index
      %get3A_330 = tpu.vector_load %arg8[%get3A_328, %get3A_329] {strides = array<i32>} : memref<768x128xf32, #tpu.memory_space<vmem>>, vector<16xf32>,
      %mul3A_331 = arith.mulf %get3A_138, %get3A_330 : vector<16xf32>
      %get3A_332 = arith.index_cast %add3A_311 : i32 to index
      %get3A_333 = arith.constant 80 : index
      %get3A_334 = tpu.vector_load %arg8[%get3A_332, %get3A_333] {strides = array<i32>} : memref<768x128xf32, #tpu.memory_space<vmem>>, vector<16xf32>,
      %mul3A_335 = arith.mulf %get3A_141, %get3A_334 : vector<16xf32>
      %get3A_336 = arith.index_cast %add3A_311 : i32 to index
      %get3A_337 = arith.constant 96 : index
      %get3A_338 = tpu.vector_load %arg8[%get3A_336, %get3A_337] {strides = array<i32>} : memref<768x128xf32, #tpu.memory_space<vmem>>, vector<16xf32>,
      %mul3A_339 = arith.mulf %get3A_144, %get3A_338 : vector<16xf32>
      %get3A_340 = arith.index_cast %add3A_311 : i32 to index
      %get3A_341 = arith.constant 112 : index
      %get3A_342 = tpu.vector_load %arg8[%get3A_340, %get3A_341] {strides = array<i32>} : memref<768x128xf32, #tpu.memory_space<vmem>>, vector<16xf32>,
      %mul3A_343 = arith.mulf %get3A_147, %get3A_342 : vector<16xf32>
      %add3A_344 = arith.addf %mul3A_315, %mul3A_319 : vector<16xf32>
      %add3A_345 = arith.addf %mul3A_323, %mul3A_327 : vector<16xf32>
      %add3A_346 = arith.addf %add3A_344, %add3A_345 : vector<16xf32>
      %add3A_347 = arith.addf %mul3A_331, %mul3A_335 : vector<16xf32>
      %add3A_348 = arith.addf %mul3A_339, %mul3A_343 : vector<16xf32>
      %add3A_349 = arith.addf %add3A_347, %add3A_348 : vector<16xf32>
      %add3A_350 = arith.addf %add3A_346, %add3A_349 : vector<16xf32>
      %neg3A_351 = arith.constant 0.000000e+00 : f32
      %neg3A_352 = vector.broadcast %neg3A_351 : f32 to vector<16xf32>
      %neg3A_353 = arith.subf %neg3A_352, %add3A_350 : vector<16xf32>
      %div3A_354 = arith.constant 96 : i32
      %div3A_355 = arith.divsi %add3A_311, %div3A_354 : i32
      %rem3A_356 = arith.constant 96 : i32
      %rem3A_357 = arith.remsi %add3A_311, %rem3A_356 : i32
      %mul3A_358 = arith.constant 16 : i32
      %mul3A_359 = arith.muli %rem3A_357, %mul3A_358 : i32
      %swap3A_360 = arith.index_cast %div3A_355 : i32 to index
      %swap3A_361 = arith.index_cast %mul3A_359 : i32 to index
      %swap3A_362 = tpu.vector_load %arg10[%swap3A_360, %swap3A_361] {strides = array<i32>} : memref<8x1536xf32, #tpu.memory_space<vmem>>, vector<16xf32>,
      tpu.vector_store %arg10[%swap3A_360, %swap3A_361], %neg3A_353 {strides = array<i32>} : memref<8x1536xf32, #tpu.memory_space<vmem>>, vector<16xf32>,
      %mul3A_363 = arith.constant 5 : i32
      %mul3A_364 = arith.muli %scan3A_123, %mul3A_363 : i32
      %add3A_365 = arith.constant 128 : i32
      %add3A_366 = arith.addi %add3A_365, %mul3A_364 : i32
      %add3A_367 = arith.constant 3 : i32
      %add3A_368 = arith.addi %add3A_366, %add3A_367 : i32
      %get3A_369 = arith.index_cast %add3A_368 : i32 to index
      %get3A_370 = arith.constant 0 : index
      %get3A_371 = tpu.vector_load %arg8[%get3A_369, %get3A_370] {strides = array<i32>} : memref<768x128xf32, #tpu.memory_space<vmem>>, vector<16xf32>,
      %mul3A_372 = arith.mulf %get3A_126, %get3A_371 : vector<16xf32>
      %get3A_373 = arith.index_cast %add3A_368 : i32 to index
      %get3A_374 = arith.constant 16 : index
      %get3A_375 = tpu.vector_load %arg8[%get3A_373, %get3A_374] {strides = array<i32>} : memref<768x128xf32, #tpu.memory_space<vmem>>, vector<16xf32>,
      %mul3A_376 = arith.mulf %get3A_129, %get3A_375 : vector<16xf32>
      %get3A_377 = arith.index_cast %add3A_368 : i32 to index
      %get3A_378 = arith.constant 32 : index
      %get3A_379 = tpu.vector_load %arg8[%get3A_377, %get3A_378] {strides = array<i32>} : memref<768x128xf32, #tpu.memory_space<vmem>>, vector<16xf32>,
      %mul3A_380 = arith.mulf %get3A_132, %get3A_379 : vector<16xf32>
      %get3A_381 = arith.index_cast %add3A_368 : i32 to index
      %get3A_382 = arith.constant 48 : index
      %get3A_383 = tpu.vector_load %arg8[%get3A_381, %get3A_382] {strides = array<i32>} : memref<768x128xf32, #tpu.memory_space<vmem>>, vector<16xf32>,
      %mul3A_384 = arith.mulf %get3A_135, %get3A_383 : vector<16xf32>
      %get3A_385 = arith.index_cast %add3A_368 : i32 to index
      %get3A_386 = arith.constant 64 : index
      %get3A_387 = tpu.vector_load %arg8[%get3A_385, %get3A_386] {strides = array<i32>} : memref<768x128xf32, #tpu.memory_space<vmem>>, vector<16xf32>,
      %mul3A_388 = arith.mulf %get3A_138, %get3A_387 : vector<16xf32>
      %get3A_389 = arith.index_cast %add3A_368 : i32 to index
      %get3A_390 = arith.constant 80 : index
      %get3A_391 = tpu.vector_load %arg8[%get3A_389, %get3A_390] {strides = array<i32>} : memref<768x128xf32, #tpu.memory_space<vmem>>, vector<16xf32>,
      %mul3A_392 = arith.mulf %get3A_141, %get3A_391 : vector<16xf32>
      %get3A_393 = arith.index_cast %add3A_368 : i32 to index
      %get3A_394 = arith.constant 96 : index
      %get3A_395 = tpu.vector_load %arg8[%get3A_393, %get3A_394] {strides = array<i32>} : memref<768x128xf32, #tpu.memory_space<vmem>>, vector<16xf32>,
      %mul3A_396 = arith.mulf %get3A_144, %get3A_395 : vector<16xf32>
      %get3A_397 = arith.index_cast %add3A_368 : i32 to index
      %get3A_398 = arith.constant 112 : index
      %get3A_399 = tpu.vector_load %arg8[%get3A_397, %get3A_398] {strides = array<i32>} : memref<768x128xf32, #tpu.memory_space<vmem>>, vector<16xf32>,
      %mul3A_400 = arith.mulf %get3A_147, %get3A_399 : vector<16xf32>
      %add3A_401 = arith.addf %mul3A_372, %mul3A_376 : vector<16xf32>
      %add3A_402 = arith.addf %mul3A_380, %mul3A_384 : vector<16xf32>
      %add3A_403 = arith.addf %add3A_401, %add3A_402 : vector<16xf32>
      %add3A_404 = arith.addf %mul3A_388, %mul3A_392 : vector<16xf32>
      %add3A_405 = arith.addf %mul3A_396, %mul3A_400 : vector<16xf32>
      %add3A_406 = arith.addf %add3A_404, %add3A_405 : vector<16xf32>
      %add3A_407 = arith.addf %add3A_403, %add3A_406 : vector<16xf32>
      %neg3A_408 = arith.constant 0.000000e+00 : f32
      %neg3A_409 = vector.broadcast %neg3A_408 : f32 to vector<16xf32>
      %neg3A_410 = arith.subf %neg3A_409, %add3A_407 : vector<16xf32>
      %div3A_411 = arith.constant 96 : i32
      %div3A_412 = arith.divsi %add3A_368, %div3A_411 : i32
      %rem3A_413 = arith.constant 96 : i32
      %rem3A_414 = arith.remsi %add3A_368, %rem3A_413 : i32
      %mul3A_415 = arith.constant 16 : i32
      %mul3A_416 = arith.muli %rem3A_414, %mul3A_415 : i32
      %swap3A_417 = arith.index_cast %div3A_412 : i32 to index
      %swap3A_418 = arith.index_cast %mul3A_416 : i32 to index
      %swap3A_419 = tpu.vector_load %arg10[%swap3A_417, %swap3A_418] {strides = array<i32>} : memref<8x1536xf32, #tpu.memory_space<vmem>>, vector<16xf32>,
      tpu.vector_store %arg10[%swap3A_417, %swap3A_418], %neg3A_410 {strides = array<i32>} : memref<8x1536xf32, #tpu.memory_space<vmem>>, vector<16xf32>,
      %mul3A_420 = arith.constant 5 : i32
      %mul3A_421 = arith.muli %scan3A_123, %mul3A_420 : i32
      %add3A_422 = arith.constant 128 : i32
      %add3A_423 = arith.addi %add3A_422, %mul3A_421 : i32
      %add3A_424 = arith.constant 4 : i32
      %add3A_425 = arith.addi %add3A_423, %add3A_424 : i32
      %get3A_426 = arith.index_cast %add3A_425 : i32 to index
      %get3A_427 = arith.constant 0 : index
      %get3A_428 = tpu.vector_load %arg8[%get3A_426, %get3A_427] {strides = array<i32>} : memref<768x128xf32, #tpu.memory_space<vmem>>, vector<16xf32>,
      %mul3A_429 = arith.mulf %get3A_126, %get3A_428 : vector<16xf32>
      %get3A_430 = arith.index_cast %add3A_425 : i32 to index
      %get3A_431 = arith.constant 16 : index
      %get3A_432 = tpu.vector_load %arg8[%get3A_430, %get3A_431] {strides = array<i32>} : memref<768x128xf32, #tpu.memory_space<vmem>>, vector<16xf32>,
      %mul3A_433 = arith.mulf %get3A_129, %get3A_432 : vector<16xf32>
      %get3A_434 = arith.index_cast %add3A_425 : i32 to index
      %get3A_435 = arith.constant 32 : index
      %get3A_436 = tpu.vector_load %arg8[%get3A_434, %get3A_435] {strides = array<i32>} : memref<768x128xf32, #tpu.memory_space<vmem>>, vector<16xf32>,
      %mul3A_437 = arith.mulf %get3A_132, %get3A_436 : vector<16xf32>
      %get3A_438 = arith.index_cast %add3A_425 : i32 to index
      %get3A_439 = arith.constant 48 : index
      %get3A_440 = tpu.vector_load %arg8[%get3A_438, %get3A_439] {strides = array<i32>} : memref<768x128xf32, #tpu.memory_space<vmem>>, vector<16xf32>,
      %mul3A_441 = arith.mulf %get3A_135, %get3A_440 : vector<16xf32>
      %get3A_442 = arith.index_cast %add3A_425 : i32 to index
      %get3A_443 = arith.constant 64 : index
      %get3A_444 = tpu.vector_load %arg8[%get3A_442, %get3A_443] {strides = array<i32>} : memref<768x128xf32, #tpu.memory_space<vmem>>, vector<16xf32>,
      %mul3A_445 = arith.mulf %get3A_138, %get3A_444 : vector<16xf32>
      %get3A_446 = arith.index_cast %add3A_425 : i32 to index
      %get3A_447 = arith.constant 80 : index
      %get3A_448 = tpu.vector_load %arg8[%get3A_446, %get3A_447] {strides = array<i32>} : memref<768x128xf32, #tpu.memory_space<vmem>>, vector<16xf32>,
      %mul3A_449 = arith.mulf %get3A_141, %get3A_448 : vector<16xf32>
      %get3A_450 = arith.index_cast %add3A_425 : i32 to index
      %get3A_451 = arith.constant 96 : index
      %get3A_452 = tpu.vector_load %arg8[%get3A_450, %get3A_451] {strides = array<i32>} : memref<768x128xf32, #tpu.memory_space<vmem>>, vector<16xf32>,
      %mul3A_453 = arith.mulf %get3A_144, %get3A_452 : vector<16xf32>
      %get3A_454 = arith.index_cast %add3A_425 : i32 to index
      %get3A_455 = arith.constant 112 : index
      %get3A_456 = tpu.vector_load %arg8[%get3A_454, %get3A_455] {strides = array<i32>} : memref<768x128xf32, #tpu.memory_space<vmem>>, vector<16xf32>,
      %mul3A_457 = arith.mulf %get3A_147, %get3A_456 : vector<16xf32>
      %add3A_458 = arith.addf %mul3A_429, %mul3A_433 : vector<16xf32>
      %add3A_459 = arith.addf %mul3A_437, %mul3A_441 : vector<16xf32>
      %add3A_460 = arith.addf %add3A_458, %add3A_459 : vector<16xf32>
      %add3A_461 = arith.addf %mul3A_445, %mul3A_449 : vector<16xf32>
      %add3A_462 = arith.addf %mul3A_453, %mul3A_457 : vector<16xf32>
      %add3A_463 = arith.addf %add3A_461, %add3A_462 : vector<16xf32>
      %add3A_464 = arith.addf %add3A_460, %add3A_463 : vector<16xf32>
      %neg3A_465 = arith.constant 0.000000e+00 : f32
      %neg3A_466 = vector.broadcast %neg3A_465 : f32 to vector<16xf32>
      %neg3A_467 = arith.subf %neg3A_466, %add3A_464 : vector<16xf32>
      %div3A_468 = arith.constant 96 : i32
      %div3A_469 = arith.divsi %add3A_425, %div3A_468 : i32
      %rem3A_470 = arith.constant 96 : i32
      %rem3A_471 = arith.remsi %add3A_425, %rem3A_470 : i32
      %mul3A_472 = arith.constant 16 : i32
      %mul3A_473 = arith.muli %rem3A_471, %mul3A_472 : i32
      %swap3A_474 = arith.index_cast %div3A_469 : i32 to index
      %swap3A_475 = arith.index_cast %mul3A_473 : i32 to index
      %swap3A_476 = tpu.vector_load %arg10[%swap3A_474, %swap3A_475] {strides = array<i32>} : memref<8x1536xf32, #tpu.memory_space<vmem>>, vector<16xf32>,
      tpu.vector_store %arg10[%swap3A_474, %swap3A_475], %neg3A_467 {strides = array<i32>} : memref<8x1536xf32, #tpu.memory_space<vmem>>, vector<16xf32>,
      %scan3A_477 = arith.constant 0 : i32
      scf.yield %scan3A_477 : i32
    }
    %scan3A_105 = arith.constant 51 : i32
    %dma_wait3A_106 = arith.constant 640 : i32
    %dma_wait3A_107 = arith.constant 0 : i32
    %dma_wait3A_108 = tpu.memref_slice %arg8[%dma_wait3A_106, %dma_wait3A_107] : memref<768x128xf32, #tpu.memory_space<vmem>> -> memref<128x128xf32, #tpu.memory_space<vmem>>
    %dma_wait3A_109 = arith.constant 640 : i32
    %dma_wait3A_110 = tpu.memref_slice %arg7[%dma_wait3A_109] : memref<768xi32, #tpu.memory_space<vmem>> -> memref<128xi32, #tpu.memory_space<vmem>>
    %dma_wait3A_111 = arith.constant 0 : i32
    %dma_wait3A_112 = arith.constant 0 : i32
    %dma_wait3A_113 = tpu.memref_slice %arg2[%dma_wait3A_111, %dma_wait3A_112] : memref<100000x128xf32, #tpu.memory_space<hbm>> -> memref<100000x128xf32, #tpu.memory_space<hbm>>
    tpu.wait_indirect_dma semaphore(%arg11 : memref<!tpu.dma_semaphore, #tpu.memory_space<semaphore_mem>>) src(%dma_wait3A_113 : memref<100000x128xf32, #tpu.memory_space<hbm>>) dst(%dma_wait3A_108 : memref<128x128xf32, #tpu.memory_space<vmem>>)
    %scan3A_114 = arith.constant 0 : i32
    %scan3A_115 = arith.constant 102 : i32
    %scan3A_116 = arith.constant 26 : i32
    %scan3A_117 = arith.addi %scan3A_115, %scan3A_116 : i32
    %scan3A_118 = arith.constant 1 : i32
    %scan3A_119 = scf.for %scan3A_123 = %scan3A_115 to %scan3A_117 step %scan3A_118 iter_args(%scan3A_124 = %scan3A_114) -> (i32)  : i32 {
      %get3A = arith.index_cast %scan3A_123 : i32 to index
      %get3A_125 = arith.constant 0 : index
      %get3A_126 = tpu.vector_load %arg9[%get3A, %get3A_125] {strides = array<i32>} : memref<128x128xf32, #tpu.memory_space<vmem>>, vector<16xf32>,
      %get3A_127 = arith.index_cast %scan3A_123 : i32 to index
      %get3A_128 = arith.constant 16 : index
      %get3A_129 = tpu.vector_load %arg9[%get3A_127, %get3A_128] {strides = array<i32>} : memref<128x128xf32, #tpu.memory_space<vmem>>, vector<16xf32>,
      %get3A_130 = arith.index_cast %scan3A_123 : i32 to index
      %get3A_131 = arith.constant 32 : index
      %get3A_132 = tpu.vector_load %arg9[%get3A_130, %get3A_131] {strides = array<i32>} : memref<128x128xf32, #tpu.memory_space<vmem>>, vector<16xf32>,
      %get3A_133 = arith.index_cast %scan3A_123 : i32 to index
      %get3A_134 = arith.constant 48 : index
      %get3A_135 = tpu.vector_load %arg9[%get3A_133, %get3A_134] {strides = array<i32>} : memref<128x128xf32, #tpu.memory_space<vmem>>, vector<16xf32>,
      %get3A_136 = arith.index_cast %scan3A_123 : i32 to index
      %get3A_137 = arith.constant 64 : index
      %get3A_138 = tpu.vector_load %arg9[%get3A_136, %get3A_137] {strides = array<i32>} : memref<128x128xf32, #tpu.memory_space<vmem>>, vector<16xf32>,
      %get3A_139 = arith.index_cast %scan3A_123 : i32 to index
      %get3A_140 = arith.constant 80 : index
      %get3A_141 = tpu.vector_load %arg9[%get3A_139, %get3A_140] {strides = array<i32>} : memref<128x128xf32, #tpu.memory_space<vmem>>, vector<16xf32>,
      %get3A_142 = arith.index_cast %scan3A_123 : i32 to index
      %get3A_143 = arith.constant 96 : index
      %get3A_144 = tpu.vector_load %arg9[%get3A_142, %get3A_143] {strides = array<i32>} : memref<128x128xf32, #tpu.memory_space<vmem>>, vector<16xf32>,
      %get3A_145 = arith.index_cast %scan3A_123 : i32 to index
      %get3A_146 = arith.constant 112 : index
      %get3A_147 = tpu.vector_load %arg9[%get3A_145, %get3A_146] {strides = array<i32>} : memref<128x128xf32, #tpu.memory_space<vmem>>, vector<16xf32>,
      %get3A_148 = arith.index_cast %scan3A_123 : i32 to index
      %get3A_149 = arith.constant 0 : index
      %get3A_150 = tpu.vector_load %arg8[%get3A_148, %get3A_149] {strides = array<i32>} : memref<768x128xf32, #tpu.memory_space<vmem>>, vector<16xf32>,
      %mul3A_151 = arith.mulf %get3A_126, %get3A_150 : vector<16xf32>
      %get3A_152 = arith.index_cast %scan3A_123 : i32 to index
      %get3A_153 = arith.constant 16 : index
      %get3A_154 = tpu.vector_load %arg8[%get3A_152, %get3A_153] {strides = array<i32>} : memref<768x128xf32, #tpu.memory_space<vmem>>, vector<16xf32>,
      %mul3A_155 = arith.mulf %get3A_129, %get3A_154 : vector<16xf32>
      %get3A_156 = arith.index_cast %scan3A_123 : i32 to index
      %get3A_157 = arith.constant 32 : index
      %get3A_158 = tpu.vector_load %arg8[%get3A_156, %get3A_157] {strides = array<i32>} : memref<768x128xf32, #tpu.memory_space<vmem>>, vector<16xf32>,
      %mul3A_159 = arith.mulf %get3A_132, %get3A_158 : vector<16xf32>
      %get3A_160 = arith.index_cast %scan3A_123 : i32 to index
      %get3A_161 = arith.constant 48 : index
      %get3A_162 = tpu.vector_load %arg8[%get3A_160, %get3A_161] {strides = array<i32>} : memref<768x128xf32, #tpu.memory_space<vmem>>, vector<16xf32>,
      %mul3A_163 = arith.mulf %get3A_135, %get3A_162 : vector<16xf32>
      %get3A_164 = arith.index_cast %scan3A_123 : i32 to index
      %get3A_165 = arith.constant 64 : index
      %get3A_166 = tpu.vector_load %arg8[%get3A_164, %get3A_165] {strides = array<i32>} : memref<768x128xf32, #tpu.memory_space<vmem>>, vector<16xf32>,
      %mul3A_167 = arith.mulf %get3A_138, %get3A_166 : vector<16xf32>
      %get3A_168 = arith.index_cast %scan3A_123 : i32 to index
      %get3A_169 = arith.constant 80 : index
      %get3A_170 = tpu.vector_load %arg8[%get3A_168, %get3A_169] {strides = array<i32>} : memref<768x128xf32, #tpu.memory_space<vmem>>, vector<16xf32>,
      %mul3A_171 = arith.mulf %get3A_141, %get3A_170 : vector<16xf32>
      %get3A_172 = arith.index_cast %scan3A_123 : i32 to index
      %get3A_173 = arith.constant 96 : index
      %get3A_174 = tpu.vector_load %arg8[%get3A_172, %get3A_173] {strides = array<i32>} : memref<768x128xf32, #tpu.memory_space<vmem>>, vector<16xf32>,
      %mul3A_175 = arith.mulf %get3A_144, %get3A_174 : vector<16xf32>
      %get3A_176 = arith.index_cast %scan3A_123 : i32 to index
      %get3A_177 = arith.constant 112 : index
      %get3A_178 = tpu.vector_load %arg8[%get3A_176, %get3A_177] {strides = array<i32>} : memref<768x128xf32, #tpu.memory_space<vmem>>, vector<16xf32>,
      %mul3A_179 = arith.mulf %get3A_147, %get3A_178 : vector<16xf32>
      %add3A_180 = arith.addf %mul3A_151, %mul3A_155 : vector<16xf32>
      %add3A_181 = arith.addf %mul3A_159, %mul3A_163 : vector<16xf32>
      %add3A_182 = arith.addf %add3A_180, %add3A_181 : vector<16xf32>
      %add3A_183 = arith.addf %mul3A_167, %mul3A_171 : vector<16xf32>
      %add3A_184 = arith.addf %mul3A_175, %mul3A_179 : vector<16xf32>
      %add3A_185 = arith.addf %add3A_183, %add3A_184 : vector<16xf32>
      %add3A_186 = arith.addf %add3A_182, %add3A_185 : vector<16xf32>
      %div3A = arith.constant 96 : i32
      %div3A_187 = arith.divsi %scan3A_123, %div3A : i32
      %rem3A = arith.constant 96 : i32
      %rem3A_188 = arith.remsi %scan3A_123, %rem3A : i32
      %mul3A_189 = arith.constant 16 : i32
      %mul3A_190 = arith.muli %rem3A_188, %mul3A_189 : i32
      %swap3A = arith.index_cast %div3A_187 : i32 to index
      %swap3A_191 = arith.index_cast %mul3A_190 : i32 to index
      %swap3A_192 = tpu.vector_load %arg10[%swap3A, %swap3A_191] {strides = array<i32>} : memref<8x1536xf32, #tpu.memory_space<vmem>>, vector<16xf32>,
      tpu.vector_store %arg10[%swap3A, %swap3A_191], %add3A_186 {strides = array<i32>} : memref<8x1536xf32, #tpu.memory_space<vmem>>, vector<16xf32>,
      %mul3A_193 = arith.constant 5 : i32
      %mul3A_194 = arith.muli %scan3A_123, %mul3A_193 : i32
      %add3A_195 = arith.constant 128 : i32
      %add3A_196 = arith.addi %add3A_195, %mul3A_194 : i32
      %add3A_197 = arith.constant 0 : i32
      %add3A_198 = arith.addi %add3A_196, %add3A_197 : i32
      %get3A_199 = arith.index_cast %add3A_198 : i32 to index
      %get3A_200 = arith.constant 0 : index
      %get3A_201 = tpu.vector_load %arg8[%get3A_199, %get3A_200] {strides = array<i32>} : memref<768x128xf32, #tpu.memory_space<vmem>>, vector<16xf32>,
      %mul3A_202 = arith.mulf %get3A_126, %get3A_201 : vector<16xf32>
      %get3A_203 = arith.index_cast %add3A_198 : i32 to index
      %get3A_204 = arith.constant 16 : index
      %get3A_205 = tpu.vector_load %arg8[%get3A_203, %get3A_204] {strides = array<i32>} : memref<768x128xf32, #tpu.memory_space<vmem>>, vector<16xf32>,
      %mul3A_206 = arith.mulf %get3A_129, %get3A_205 : vector<16xf32>
      %get3A_207 = arith.index_cast %add3A_198 : i32 to index
      %get3A_208 = arith.constant 32 : index
      %get3A_209 = tpu.vector_load %arg8[%get3A_207, %get3A_208] {strides = array<i32>} : memref<768x128xf32, #tpu.memory_space<vmem>>, vector<16xf32>,
      %mul3A_210 = arith.mulf %get3A_132, %get3A_209 : vector<16xf32>
      %get3A_211 = arith.index_cast %add3A_198 : i32 to index
      %get3A_212 = arith.constant 48 : index
      %get3A_213 = tpu.vector_load %arg8[%get3A_211, %get3A_212] {strides = array<i32>} : memref<768x128xf32, #tpu.memory_space<vmem>>, vector<16xf32>,
      %mul3A_214 = arith.mulf %get3A_135, %get3A_213 : vector<16xf32>
      %get3A_215 = arith.index_cast %add3A_198 : i32 to index
      %get3A_216 = arith.constant 64 : index
      %get3A_217 = tpu.vector_load %arg8[%get3A_215, %get3A_216] {strides = array<i32>} : memref<768x128xf32, #tpu.memory_space<vmem>>, vector<16xf32>,
      %mul3A_218 = arith.mulf %get3A_138, %get3A_217 : vector<16xf32>
      %get3A_219 = arith.index_cast %add3A_198 : i32 to index
      %get3A_220 = arith.constant 80 : index
      %get3A_221 = tpu.vector_load %arg8[%get3A_219, %get3A_220] {strides = array<i32>} : memref<768x128xf32, #tpu.memory_space<vmem>>, vector<16xf32>,
      %mul3A_222 = arith.mulf %get3A_141, %get3A_221 : vector<16xf32>
      %get3A_223 = arith.index_cast %add3A_198 : i32 to index
      %get3A_224 = arith.constant 96 : index
      %get3A_225 = tpu.vector_load %arg8[%get3A_223, %get3A_224] {strides = array<i32>} : memref<768x128xf32, #tpu.memory_space<vmem>>, vector<16xf32>,
      %mul3A_226 = arith.mulf %get3A_144, %get3A_225 : vector<16xf32>
      %get3A_227 = arith.index_cast %add3A_198 : i32 to index
      %get3A_228 = arith.constant 112 : index
      %get3A_229 = tpu.vector_load %arg8[%get3A_227, %get3A_228] {strides = array<i32>} : memref<768x128xf32, #tpu.memory_space<vmem>>, vector<16xf32>,
      %mul3A_230 = arith.mulf %get3A_147, %get3A_229 : vector<16xf32>
      %add3A_231 = arith.addf %mul3A_202, %mul3A_206 : vector<16xf32>
      %add3A_232 = arith.addf %mul3A_210, %mul3A_214 : vector<16xf32>
      %add3A_233 = arith.addf %add3A_231, %add3A_232 : vector<16xf32>
      %add3A_234 = arith.addf %mul3A_218, %mul3A_222 : vector<16xf32>
      %add3A_235 = arith.addf %mul3A_226, %mul3A_230 : vector<16xf32>
      %add3A_236 = arith.addf %add3A_234, %add3A_235 : vector<16xf32>
      %add3A_237 = arith.addf %add3A_233, %add3A_236 : vector<16xf32>
      %neg3A = arith.constant 0.000000e+00 : f32
      %neg3A_238 = vector.broadcast %neg3A : f32 to vector<16xf32>
      %neg3A_239 = arith.subf %neg3A_238, %add3A_237 : vector<16xf32>
      %div3A_240 = arith.constant 96 : i32
      %div3A_241 = arith.divsi %add3A_198, %div3A_240 : i32
      %rem3A_242 = arith.constant 96 : i32
      %rem3A_243 = arith.remsi %add3A_198, %rem3A_242 : i32
      %mul3A_244 = arith.constant 16 : i32
      %mul3A_245 = arith.muli %rem3A_243, %mul3A_244 : i32
      %swap3A_246 = arith.index_cast %div3A_241 : i32 to index
      %swap3A_247 = arith.index_cast %mul3A_245 : i32 to index
      %swap3A_248 = tpu.vector_load %arg10[%swap3A_246, %swap3A_247] {strides = array<i32>} : memref<8x1536xf32, #tpu.memory_space<vmem>>, vector<16xf32>,
      tpu.vector_store %arg10[%swap3A_246, %swap3A_247], %neg3A_239 {strides = array<i32>} : memref<8x1536xf32, #tpu.memory_space<vmem>>, vector<16xf32>,
      %mul3A_249 = arith.constant 5 : i32
      %mul3A_250 = arith.muli %scan3A_123, %mul3A_249 : i32
      %add3A_251 = arith.constant 128 : i32
      %add3A_252 = arith.addi %add3A_251, %mul3A_250 : i32
      %add3A_253 = arith.constant 1 : i32
      %add3A_254 = arith.addi %add3A_252, %add3A_253 : i32
      %get3A_255 = arith.index_cast %add3A_254 : i32 to index
      %get3A_256 = arith.constant 0 : index
      %get3A_257 = tpu.vector_load %arg8[%get3A_255, %get3A_256] {strides = array<i32>} : memref<768x128xf32, #tpu.memory_space<vmem>>, vector<16xf32>,
      %mul3A_258 = arith.mulf %get3A_126, %get3A_257 : vector<16xf32>
      %get3A_259 = arith.index_cast %add3A_254 : i32 to index
      %get3A_260 = arith.constant 16 : index
      %get3A_261 = tpu.vector_load %arg8[%get3A_259, %get3A_260] {strides = array<i32>} : memref<768x128xf32, #tpu.memory_space<vmem>>, vector<16xf32>,
      %mul3A_262 = arith.mulf %get3A_129, %get3A_261 : vector<16xf32>
      %get3A_263 = arith.index_cast %add3A_254 : i32 to index
      %get3A_264 = arith.constant 32 : index
      %get3A_265 = tpu.vector_load %arg8[%get3A_263, %get3A_264] {strides = array<i32>} : memref<768x128xf32, #tpu.memory_space<vmem>>, vector<16xf32>,
      %mul3A_266 = arith.mulf %get3A_132, %get3A_265 : vector<16xf32>
      %get3A_267 = arith.index_cast %add3A_254 : i32 to index
      %get3A_268 = arith.constant 48 : index
      %get3A_269 = tpu.vector_load %arg8[%get3A_267, %get3A_268] {strides = array<i32>} : memref<768x128xf32, #tpu.memory_space<vmem>>, vector<16xf32>,
      %mul3A_270 = arith.mulf %get3A_135, %get3A_269 : vector<16xf32>
      %get3A_271 = arith.index_cast %add3A_254 : i32 to index
      %get3A_272 = arith.constant 64 : index
      %get3A_273 = tpu.vector_load %arg8[%get3A_271, %get3A_272] {strides = array<i32>} : memref<768x128xf32, #tpu.memory_space<vmem>>, vector<16xf32>,
      %mul3A_274 = arith.mulf %get3A_138, %get3A_273 : vector<16xf32>
      %get3A_275 = arith.index_cast %add3A_254 : i32 to index
      %get3A_276 = arith.constant 80 : index
      %get3A_277 = tpu.vector_load %arg8[%get3A_275, %get3A_276] {strides = array<i32>} : memref<768x128xf32, #tpu.memory_space<vmem>>, vector<16xf32>,
      %mul3A_278 = arith.mulf %get3A_141, %get3A_277 : vector<16xf32>
      %get3A_279 = arith.index_cast %add3A_254 : i32 to index
      %get3A_280 = arith.constant 96 : index
      %get3A_281 = tpu.vector_load %arg8[%get3A_279, %get3A_280] {strides = array<i32>} : memref<768x128xf32, #tpu.memory_space<vmem>>, vector<16xf32>,
      %mul3A_282 = arith.mulf %get3A_144, %get3A_281 : vector<16xf32>
      %get3A_283 = arith.index_cast %add3A_254 : i32 to index
      %get3A_284 = arith.constant 112 : index
      %get3A_285 = tpu.vector_load %arg8[%get3A_283, %get3A_284] {strides = array<i32>} : memref<768x128xf32, #tpu.memory_space<vmem>>, vector<16xf32>,
      %mul3A_286 = arith.mulf %get3A_147, %get3A_285 : vector<16xf32>
      %add3A_287 = arith.addf %mul3A_258, %mul3A_262 : vector<16xf32>
      %add3A_288 = arith.addf %mul3A_266, %mul3A_270 : vector<16xf32>
      %add3A_289 = arith.addf %add3A_287, %add3A_288 : vector<16xf32>
      %add3A_290 = arith.addf %mul3A_274, %mul3A_278 : vector<16xf32>
      %add3A_291 = arith.addf %mul3A_282, %mul3A_286 : vector<16xf32>
      %add3A_292 = arith.addf %add3A_290, %add3A_291 : vector<16xf32>
      %add3A_293 = arith.addf %add3A_289, %add3A_292 : vector<16xf32>
      %neg3A_294 = arith.constant 0.000000e+00 : f32
      %neg3A_295 = vector.broadcast %neg3A_294 : f32 to vector<16xf32>
      %neg3A_296 = arith.subf %neg3A_295, %add3A_293 : vector<16xf32>
      %div3A_297 = arith.constant 96 : i32
      %div3A_298 = arith.divsi %add3A_254, %div3A_297 : i32
      %rem3A_299 = arith.constant 96 : i32
      %rem3A_300 = arith.remsi %add3A_254, %rem3A_299 : i32
      %mul3A_301 = arith.constant 16 : i32
      %mul3A_302 = arith.muli %rem3A_300, %mul3A_301 : i32
      %swap3A_303 = arith.index_cast %div3A_298 : i32 to index
      %swap3A_304 = arith.index_cast %mul3A_302 : i32 to index
      %swap3A_305 = tpu.vector_load %arg10[%swap3A_303, %swap3A_304] {strides = array<i32>} : memref<8x1536xf32, #tpu.memory_space<vmem>>, vector<16xf32>,
      tpu.vector_store %arg10[%swap3A_303, %swap3A_304], %neg3A_296 {strides = array<i32>} : memref<8x1536xf32, #tpu.memory_space<vmem>>, vector<16xf32>,
      %mul3A_306 = arith.constant 5 : i32
      %mul3A_307 = arith.muli %scan3A_123, %mul3A_306 : i32
      %add3A_308 = arith.constant 128 : i32
      %add3A_309 = arith.addi %add3A_308, %mul3A_307 : i32
      %add3A_310 = arith.constant 2 : i32
      %add3A_311 = arith.addi %add3A_309, %add3A_310 : i32
      %get3A_312 = arith.index_cast %add3A_311 : i32 to index
      %get3A_313 = arith.constant 0 : index
      %get3A_314 = tpu.vector_load %arg8[%get3A_312, %get3A_313] {strides = array<i32>} : memref<768x128xf32, #tpu.memory_space<vmem>>, vector<16xf32>,
      %mul3A_315 = arith.mulf %get3A_126, %get3A_314 : vector<16xf32>
      %get3A_316 = arith.index_cast %add3A_311 : i32 to index
      %get3A_317 = arith.constant 16 : index
      %get3A_318 = tpu.vector_load %arg8[%get3A_316, %get3A_317] {strides = array<i32>} : memref<768x128xf32, #tpu.memory_space<vmem>>, vector<16xf32>,
      %mul3A_319 = arith.mulf %get3A_129, %get3A_318 : vector<16xf32>
      %get3A_320 = arith.index_cast %add3A_311 : i32 to index
      %get3A_321 = arith.constant 32 : index
      %get3A_322 = tpu.vector_load %arg8[%get3A_320, %get3A_321] {strides = array<i32>} : memref<768x128xf32, #tpu.memory_space<vmem>>, vector<16xf32>,
      %mul3A_323 = arith.mulf %get3A_132, %get3A_322 : vector<16xf32>
      %get3A_324 = arith.index_cast %add3A_311 : i32 to index
      %get3A_325 = arith.constant 48 : index
      %get3A_326 = tpu.vector_load %arg8[%get3A_324, %get3A_325] {strides = array<i32>} : memref<768x128xf32, #tpu.memory_space<vmem>>, vector<16xf32>,
      %mul3A_327 = arith.mulf %get3A_135, %get3A_326 : vector<16xf32>
      %get3A_328 = arith.index_cast %add3A_311 : i32 to index
      %get3A_329 = arith.constant 64 : index
      %get3A_330 = tpu.vector_load %arg8[%get3A_328, %get3A_329] {strides = array<i32>} : memref<768x128xf32, #tpu.memory_space<vmem>>, vector<16xf32>,
      %mul3A_331 = arith.mulf %get3A_138, %get3A_330 : vector<16xf32>
      %get3A_332 = arith.index_cast %add3A_311 : i32 to index
      %get3A_333 = arith.constant 80 : index
      %get3A_334 = tpu.vector_load %arg8[%get3A_332, %get3A_333] {strides = array<i32>} : memref<768x128xf32, #tpu.memory_space<vmem>>, vector<16xf32>,
      %mul3A_335 = arith.mulf %get3A_141, %get3A_334 : vector<16xf32>
      %get3A_336 = arith.index_cast %add3A_311 : i32 to index
      %get3A_337 = arith.constant 96 : index
      %get3A_338 = tpu.vector_load %arg8[%get3A_336, %get3A_337] {strides = array<i32>} : memref<768x128xf32, #tpu.memory_space<vmem>>, vector<16xf32>,
      %mul3A_339 = arith.mulf %get3A_144, %get3A_338 : vector<16xf32>
      %get3A_340 = arith.index_cast %add3A_311 : i32 to index
      %get3A_341 = arith.constant 112 : index
      %get3A_342 = tpu.vector_load %arg8[%get3A_340, %get3A_341] {strides = array<i32>} : memref<768x128xf32, #tpu.memory_space<vmem>>, vector<16xf32>,
      %mul3A_343 = arith.mulf %get3A_147, %get3A_342 : vector<16xf32>
      %add3A_344 = arith.addf %mul3A_315, %mul3A_319 : vector<16xf32>
      %add3A_345 = arith.addf %mul3A_323, %mul3A_327 : vector<16xf32>
      %add3A_346 = arith.addf %add3A_344, %add3A_345 : vector<16xf32>
      %add3A_347 = arith.addf %mul3A_331, %mul3A_335 : vector<16xf32>
      %add3A_348 = arith.addf %mul3A_339, %mul3A_343 : vector<16xf32>
      %add3A_349 = arith.addf %add3A_347, %add3A_348 : vector<16xf32>
      %add3A_350 = arith.addf %add3A_346, %add3A_349 : vector<16xf32>
      %neg3A_351 = arith.constant 0.000000e+00 : f32
      %neg3A_352 = vector.broadcast %neg3A_351 : f32 to vector<16xf32>
      %neg3A_353 = arith.subf %neg3A_352, %add3A_350 : vector<16xf32>
      %div3A_354 = arith.constant 96 : i32
      %div3A_355 = arith.divsi %add3A_311, %div3A_354 : i32
      %rem3A_356 = arith.constant 96 : i32
      %rem3A_357 = arith.remsi %add3A_311, %rem3A_356 : i32
      %mul3A_358 = arith.constant 16 : i32
      %mul3A_359 = arith.muli %rem3A_357, %mul3A_358 : i32
      %swap3A_360 = arith.index_cast %div3A_355 : i32 to index
      %swap3A_361 = arith.index_cast %mul3A_359 : i32 to index
      %swap3A_362 = tpu.vector_load %arg10[%swap3A_360, %swap3A_361] {strides = array<i32>} : memref<8x1536xf32, #tpu.memory_space<vmem>>, vector<16xf32>,
      tpu.vector_store %arg10[%swap3A_360, %swap3A_361], %neg3A_353 {strides = array<i32>} : memref<8x1536xf32, #tpu.memory_space<vmem>>, vector<16xf32>,
      %mul3A_363 = arith.constant 5 : i32
      %mul3A_364 = arith.muli %scan3A_123, %mul3A_363 : i32
      %add3A_365 = arith.constant 128 : i32
      %add3A_366 = arith.addi %add3A_365, %mul3A_364 : i32
      %add3A_367 = arith.constant 3 : i32
      %add3A_368 = arith.addi %add3A_366, %add3A_367 : i32
      %get3A_369 = arith.index_cast %add3A_368 : i32 to index
      %get3A_370 = arith.constant 0 : index
      %get3A_371 = tpu.vector_load %arg8[%get3A_369, %get3A_370] {strides = array<i32>} : memref<768x128xf32, #tpu.memory_space<vmem>>, vector<16xf32>,
      %mul3A_372 = arith.mulf %get3A_126, %get3A_371 : vector<16xf32>
      %get3A_373 = arith.index_cast %add3A_368 : i32 to index
      %get3A_374 = arith.constant 16 : index
      %get3A_375 = tpu.vector_load %arg8[%get3A_373, %get3A_374] {strides = array<i32>} : memref<768x128xf32, #tpu.memory_space<vmem>>, vector<16xf32>,
      %mul3A_376 = arith.mulf %get3A_129, %get3A_375 : vector<16xf32>
      %get3A_377 = arith.index_cast %add3A_368 : i32 to index
      %get3A_378 = arith.constant 32 : index
      %get3A_379 = tpu.vector_load %arg8[%get3A_377, %get3A_378] {strides = array<i32>} : memref<768x128xf32, #tpu.memory_space<vmem>>, vector<16xf32>,
      %mul3A_380 = arith.mulf %get3A_132, %get3A_379 : vector<16xf32>
      %get3A_381 = arith.index_cast %add3A_368 : i32 to index
      %get3A_382 = arith.constant 48 : index
      %get3A_383 = tpu.vector_load %arg8[%get3A_381, %get3A_382] {strides = array<i32>} : memref<768x128xf32, #tpu.memory_space<vmem>>, vector<16xf32>,
      %mul3A_384 = arith.mulf %get3A_135, %get3A_383 : vector<16xf32>
      %get3A_385 = arith.index_cast %add3A_368 : i32 to index
      %get3A_386 = arith.constant 64 : index
      %get3A_387 = tpu.vector_load %arg8[%get3A_385, %get3A_386] {strides = array<i32>} : memref<768x128xf32, #tpu.memory_space<vmem>>, vector<16xf32>,
      %mul3A_388 = arith.mulf %get3A_138, %get3A_387 : vector<16xf32>
      %get3A_389 = arith.index_cast %add3A_368 : i32 to index
      %get3A_390 = arith.constant 80 : index
      %get3A_391 = tpu.vector_load %arg8[%get3A_389, %get3A_390] {strides = array<i32>} : memref<768x128xf32, #tpu.memory_space<vmem>>, vector<16xf32>,
      %mul3A_392 = arith.mulf %get3A_141, %get3A_391 : vector<16xf32>
      %get3A_393 = arith.index_cast %add3A_368 : i32 to index
      %get3A_394 = arith.constant 96 : index
      %get3A_395 = tpu.vector_load %arg8[%get3A_393, %get3A_394] {strides = array<i32>} : memref<768x128xf32, #tpu.memory_space<vmem>>, vector<16xf32>,
      %mul3A_396 = arith.mulf %get3A_144, %get3A_395 : vector<16xf32>
      %get3A_397 = arith.index_cast %add3A_368 : i32 to index
      %get3A_398 = arith.constant 112 : index
      %get3A_399 = tpu.vector_load %arg8[%get3A_397, %get3A_398] {strides = array<i32>} : memref<768x128xf32, #tpu.memory_space<vmem>>, vector<16xf32>,
      %mul3A_400 = arith.mulf %get3A_147, %get3A_399 : vector<16xf32>
      %add3A_401 = arith.addf %mul3A_372, %mul3A_376 : vector<16xf32>
      %add3A_402 = arith.addf %mul3A_380, %mul3A_384 : vector<16xf32>
      %add3A_403 = arith.addf %add3A_401, %add3A_402 : vector<16xf32>
      %add3A_404 = arith.addf %mul3A_388, %mul3A_392 : vector<16xf32>
      %add3A_405 = arith.addf %mul3A_396, %mul3A_400 : vector<16xf32>
      %add3A_406 = arith.addf %add3A_404, %add3A_405 : vector<16xf32>
      %add3A_407 = arith.addf %add3A_403, %add3A_406 : vector<16xf32>
      %neg3A_408 = arith.constant 0.000000e+00 : f32
      %neg3A_409 = vector.broadcast %neg3A_408 : f32 to vector<16xf32>
      %neg3A_410 = arith.subf %neg3A_409, %add3A_407 : vector<16xf32>
      %div3A_411 = arith.constant 96 : i32
      %div3A_412 = arith.divsi %add3A_368, %div3A_411 : i32
      %rem3A_413 = arith.constant 96 : i32
      %rem3A_414 = arith.remsi %add3A_368, %rem3A_413 : i32
      %mul3A_415 = arith.constant 16 : i32
      %mul3A_416 = arith.muli %rem3A_414, %mul3A_415 : i32
      %swap3A_417 = arith.index_cast %div3A_412 : i32 to index
      %swap3A_418 = arith.index_cast %mul3A_416 : i32 to index
      %swap3A_419 = tpu.vector_load %arg10[%swap3A_417, %swap3A_418] {strides = array<i32>} : memref<8x1536xf32, #tpu.memory_space<vmem>>, vector<16xf32>,
      tpu.vector_store %arg10[%swap3A_417, %swap3A_418], %neg3A_410 {strides = array<i32>} : memref<8x1536xf32, #tpu.memory_space<vmem>>, vector<16xf32>,
      %mul3A_420 = arith.constant 5 : i32
      %mul3A_421 = arith.muli %scan3A_123, %mul3A_420 : i32
      %add3A_422 = arith.constant 128 : i32
      %add3A_423 = arith.addi %add3A_422, %mul3A_421 : i32
      %add3A_424 = arith.constant 4 : i32
      %add3A_425 = arith.addi %add3A_423, %add3A_424 : i32
      %get3A_426 = arith.index_cast %add3A_425 : i32 to index
      %get3A_427 = arith.constant 0 : index
      %get3A_428 = tpu.vector_load %arg8[%get3A_426, %get3A_427] {strides = array<i32>} : memref<768x128xf32, #tpu.memory_space<vmem>>, vector<16xf32>,
      %mul3A_429 = arith.mulf %get3A_126, %get3A_428 : vector<16xf32>
      %get3A_430 = arith.index_cast %add3A_425 : i32 to index
      %get3A_431 = arith.constant 16 : index
      %get3A_432 = tpu.vector_load %arg8[%get3A_430, %get3A_431] {strides = array<i32>} : memref<768x128xf32, #tpu.memory_space<vmem>>, vector<16xf32>,
      %mul3A_433 = arith.mulf %get3A_129, %get3A_432 : vector<16xf32>
      %get3A_434 = arith.index_cast %add3A_425 : i32 to index
      %get3A_435 = arith.constant 32 : index
      %get3A_436 = tpu.vector_load %arg8[%get3A_434, %get3A_435] {strides = array<i32>} : memref<768x128xf32, #tpu.memory_space<vmem>>, vector<16xf32>,
      %mul3A_437 = arith.mulf %get3A_132, %get3A_436 : vector<16xf32>
      %get3A_438 = arith.index_cast %add3A_425 : i32 to index
      %get3A_439 = arith.constant 48 : index
      %get3A_440 = tpu.vector_load %arg8[%get3A_438, %get3A_439] {strides = array<i32>} : memref<768x128xf32, #tpu.memory_space<vmem>>, vector<16xf32>,
      %mul3A_441 = arith.mulf %get3A_135, %get3A_440 : vector<16xf32>
      %get3A_442 = arith.index_cast %add3A_425 : i32 to index
      %get3A_443 = arith.constant 64 : index
      %get3A_444 = tpu.vector_load %arg8[%get3A_442, %get3A_443] {strides = array<i32>} : memref<768x128xf32, #tpu.memory_space<vmem>>, vector<16xf32>,
      %mul3A_445 = arith.mulf %get3A_138, %get3A_444 : vector<16xf32>
      %get3A_446 = arith.index_cast %add3A_425 : i32 to index
      %get3A_447 = arith.constant 80 : index
      %get3A_448 = tpu.vector_load %arg8[%get3A_446, %get3A_447] {strides = array<i32>} : memref<768x128xf32, #tpu.memory_space<vmem>>, vector<16xf32>,
      %mul3A_449 = arith.mulf %get3A_141, %get3A_448 : vector<16xf32>
      %get3A_450 = arith.index_cast %add3A_425 : i32 to index
      %get3A_451 = arith.constant 96 : index
      %get3A_452 = tpu.vector_load %arg8[%get3A_450, %get3A_451] {strides = array<i32>} : memref<768x128xf32, #tpu.memory_space<vmem>>, vector<16xf32>,
      %mul3A_453 = arith.mulf %get3A_144, %get3A_452 : vector<16xf32>
      %get3A_454 = arith.index_cast %add3A_425 : i32 to index
      %get3A_455 = arith.constant 112 : index
      %get3A_456 = tpu.vector_load %arg8[%get3A_454, %get3A_455] {strides = array<i32>} : memref<768x128xf32, #tpu.memory_space<vmem>>, vector<16xf32>,
      %mul3A_457 = arith.mulf %get3A_147, %get3A_456 : vector<16xf32>
      %add3A_458 = arith.addf %mul3A_429, %mul3A_433 : vector<16xf32>
      %add3A_459 = arith.addf %mul3A_437, %mul3A_441 : vector<16xf32>
      %add3A_460 = arith.addf %add3A_458, %add3A_459 : vector<16xf32>
      %add3A_461 = arith.addf %mul3A_445, %mul3A_449 : vector<16xf32>
      %add3A_462 = arith.addf %mul3A_453, %mul3A_457 : vector<16xf32>
      %add3A_463 = arith.addf %add3A_461, %add3A_462 : vector<16xf32>
      %add3A_464 = arith.addf %add3A_460, %add3A_463 : vector<16xf32>
      %neg3A_465 = arith.constant 0.000000e+00 : f32
      %neg3A_466 = vector.broadcast %neg3A_465 : f32 to vector<16xf32>
      %neg3A_467 = arith.subf %neg3A_466, %add3A_464 : vector<16xf32>
      %div3A_468 = arith.constant 96 : i32
      %div3A_469 = arith.divsi %add3A_425, %div3A_468 : i32
      %rem3A_470 = arith.constant 96 : i32
      %rem3A_471 = arith.remsi %add3A_425, %rem3A_470 : i32
      %mul3A_472 = arith.constant 16 : i32
      %mul3A_473 = arith.muli %rem3A_471, %mul3A_472 : i32
      %swap3A_474 = arith.index_cast %div3A_469 : i32 to index
      %swap3A_475 = arith.index_cast %mul3A_473 : i32 to index
      %swap3A_476 = tpu.vector_load %arg10[%swap3A_474, %swap3A_475] {strides = array<i32>} : memref<8x1536xf32, #tpu.memory_space<vmem>>, vector<16xf32>,
      tpu.vector_store %arg10[%swap3A_474, %swap3A_475], %neg3A_467 {strides = array<i32>} : memref<8x1536xf32, #tpu.memory_space<vmem>>, vector<16xf32>,
      %scan3A_477 = arith.constant 0 : i32
      scf.yield %scan3A_477 : i32
    }
    %scan3A_120 = arith.constant 26 : i32
    %mul3A_121 = arith.constant 8 : i32
    %mul3A_122 = arith.muli %add3A, %mul3A_121 : i32
    "tpu.region"() ({
      %run_scoped3A = tpu.sem_alloc : memref<!tpu.dma_semaphore, #tpu.memory_space<semaphore_mem>>
      %dma_start3A_123 = arith.constant 0 : i32
      %dma_start3A_124 = tpu.memref_slice %arg6[%mul3A_122, %dma_start3A_123] : memref<256x1536xf32, #tpu.memory_space<hbm>> -> memref<8x1536xf32, #tpu.memory_space<hbm>>
      %dma_start3A_125 = arith.constant 0 : i32
      %dma_start3A_126 = tpu.memref_slice %arg6[%mul3A_122, %dma_start3A_125] : memref<256x1536xf32, #tpu.memory_space<hbm>> -> memref<8x1536xf32, #tpu.memory_space<hbm>>
      tpu.enqueue_dma source(%arg10 : memref<8x1536xf32, #tpu.memory_space<vmem>>) target(%dma_start3A_126 : memref<8x1536xf32, #tpu.memory_space<hbm>>) target_semaphore(%run_scoped3A : memref<!tpu.dma_semaphore, #tpu.memory_space<semaphore_mem>>)
      %dma_wait3A_127 = arith.constant 0 : i32
      %dma_wait3A_128 = tpu.memref_slice %arg6[%mul3A_122, %dma_wait3A_127] : memref<256x1536xf32, #tpu.memory_space<hbm>> -> memref<8x1536xf32, #tpu.memory_space<hbm>>
      %dma_wait3A_129 = arith.constant 0 : i32
      %dma_wait3A_130 = tpu.memref_slice %arg6[%mul3A_122, %dma_wait3A_129] : memref<256x1536xf32, #tpu.memory_space<hbm>> -> memref<8x1536xf32, #tpu.memory_space<hbm>>
      tpu.wait_dma2 semaphore(%run_scoped3A : memref<!tpu.dma_semaphore, #tpu.memory_space<semaphore_mem>>) src(%arg10 : memref<8x1536xf32, #tpu.memory_space<vmem>>) dst(%dma_wait3A_130 : memref<8x1536xf32, #tpu.memory_space<hbm>>)
      tpu.yield
    }) : () -> ()
    return
  }
}

module attributes {stable_mosaic.version = 14 : i64} {
  func.func @_tc_loss_body(%arg0: memref<256x1536xf32, #tpu.memory_space<vmem>>, %arg1: memref<1x1xf32, #tpu.memory_space<smem>>) attributes {dimension_semantics = [], scalar_prefetch = 0 : i64, scratch_operands = 0 : i64, tpu.core_type = #tpu.core_type<tc>} {
    %get3A = arith.constant 0 : index
    %get3A_0 = arith.constant 0 : index
    %get3A_1 = vector.load %arg0[%get3A, %get3A_0] : memref<256x1536xf32, #tpu.memory_space<vmem>>, vector<256x1536xf32>
    %iota3A = tpu.iota {dimensions = array<i32: 0>} : vector<1536x96xi32>
    %iota3A_2 = tpu.iota {dimensions = array<i32: 1>} : vector<1536x96xi32>
    %jit3A = arith.constant 16 : i32
    %div3A = vector.broadcast %jit3A : i32 to vector<1536x96xi32>
    %div3A_3 = arith.divsi %iota3A, %div3A : vector<1536x96xi32>
    %sign3A = arith.constant 0 : i32
    %sign3A_4 = vector.broadcast %sign3A : i32 to vector<1536x96xi32>
    %sign3A_5 = arith.cmpi sgt, %iota3A, %sign3A_4 : vector<1536x96xi32>
    %sign3A_6 = arith.extui %sign3A_5 : vector<1536x96xi1> to vector<1536x96xi32>
    %sign3A_7 = arith.constant 0 : i32
    %sign3A_8 = vector.broadcast %sign3A_7 : i32 to vector<1536x96xi32>
    %sign3A_9 = arith.cmpi slt, %iota3A, %sign3A_8 : vector<1536x96xi32>
    %sign3A_10 = arith.extui %sign3A_9 : vector<1536x96xi1> to vector<1536x96xi32>
    %sign3A_11 = arith.subi %sign3A_6, %sign3A_10 : vector<1536x96xi32>
    %sign3A_12 = arith.constant 0 : i32
    %sign3A_13 = arith.cmpi sgt, %jit3A, %sign3A_12 : i32
    %sign3A_14 = arith.extui %sign3A_13 : i1 to i32
    %sign3A_15 = arith.constant 0 : i32
    %sign3A_16 = arith.cmpi slt, %jit3A, %sign3A_15 : i32
    %sign3A_17 = arith.extui %sign3A_16 : i1 to i32
    %sign3A_18 = arith.subi %sign3A_14, %sign3A_17 : i32
    %ne3A = vector.broadcast %sign3A_18 : i32 to vector<1536x96xi32>
    %ne3A_19 = arith.cmpi ne, %sign3A_11, %ne3A : vector<1536x96xi32>
    %rem3A = vector.broadcast %jit3A : i32 to vector<1536x96xi32>
    %rem3A_20 = arith.remsi %iota3A, %rem3A : vector<1536x96xi32>
    %ne3A_21 = arith.constant 0 : i32
    %ne3A_22 = vector.broadcast %ne3A_21 : i32 to vector<1536x96xi32>
    %ne3A_23 = arith.cmpi ne, %rem3A_20, %ne3A_22 : vector<1536x96xi32>
    %and3A = arith.andi %ne3A_19, %ne3A_23 : vector<1536x96xi1>
    %sub3A = arith.constant 1 : i32
    %sub3A_24 = vector.broadcast %sub3A : i32 to vector<1536x96xi32>
    %sub3A_25 = arith.subi %div3A_3, %sub3A_24 : vector<1536x96xi32>
    %select_n3A = arith.select %and3A, %sub3A_25, %div3A_3 : vector<1536x96xi1>, vector<1536x96xi32>
    %eq3A = arith.cmpi eq, %select_n3A, %iota3A_2 : vector<1536x96xi32>
    %convert_element_type3A = arith.extui %eq3A : vector<1536x96xi1> to vector<1536x96xi32>
    %convert_element_type3A_26 = arith.sitofp %convert_element_type3A : vector<1536x96xi32> to vector<1536x96xf32>
    %convert_element_type3A_27 = arith.truncf %convert_element_type3A_26 : vector<1536x96xf32> to vector<1536x96xbf16>
    %convert_element_type3A_28 = arith.truncf %get3A_1 : vector<256x1536xf32> to vector<256x1536xbf16>
    %dot_general3A = arith.constant dense<0.000000e+00> : vector<256x96xf32>
    %dot_general3A_29 = tpu.matmul %convert_element_type3A_28, %convert_element_type3A_27, %dot_general3A {dimension_numbers = #tpu.dot_dimension_numbers<[1], [0], [0], [1], [0, 0, 1, 1], [], []>, transpose_lhs_hint = false} : vector<256x1536xbf16>, vector<1536x96xbf16>, vector<256x96xf32> -> vector<256x96xf32>
    %min3A = arith.constant 0.000000e+00 : f32
    %min3A_30 = vector.broadcast %min3A : f32 to vector<256x96xf32>
    %min3A_31 = arith.minimumf %dot_general3A_29, %min3A_30 : vector<256x96xf32>
    %abs3A = math.absf %dot_general3A_29 : vector<256x96xf32>
    %neg3A = arith.constant 0.000000e+00 : f32
    %neg3A_32 = vector.broadcast %neg3A : f32 to vector<256x96xf32>
    %neg3A_33 = arith.subf %neg3A_32, %abs3A : vector<256x96xf32>
    %exp3A = math.exp %neg3A_33 : vector<256x96xf32>
    %log1p3A = math.log1p %exp3A : vector<256x96xf32>
    %sub3A_34 = arith.subf %min3A_31, %log1p3A : vector<256x96xf32>
    %reduce_sum3A = vector.shape_cast %sub3A_34 : vector<256x96xf32> to vector<1x256x96xf32>
    %reduce_sum3A_35 = arith.constant dense<0.000000e+00> : vector<1xf32>
    %reduce_sum3A_36 = vector.multi_reduction <add>, %reduce_sum3A, %reduce_sum3A_35 [1, 2] : vector<1x256x96xf32> to vector<1xf32>
    %reduce_sum3A_37 = vector.shape_cast %reduce_sum3A_36 : vector<1xf32> to vector<1x1x1xf32>
    %reduce_sum3A_38 = vector.extract %reduce_sum3A_37[0, 0, 0] : f32 from vector<1x1x1xf32>
    %neg3A_39 = arith.constant 0.000000e+00 : f32
    %neg3A_40 = arith.subf %neg3A_39, %reduce_sum3A_38 : f32
    %div3A_41 = arith.constant 4.096000e+03 : f32
    %div3A_42 = arith.divf %neg3A_40, %div3A_41 : f32
    %swap3A = arith.constant 0 : index
    %swap3A_43 = arith.constant 0 : index
    %swap3A_44 = memref.load %arg1[%swap3A, %swap3A_43] : memref<1x1xf32, #tpu.memory_space<smem>>
    memref.store %div3A_42, %arg1[%swap3A, %swap3A_43] : memref<1x1xf32, #tpu.memory_space<smem>>
    return
  }
}

</mosaic_0001>

<sc_bundles>
// kernel: kernel.4.cloned.1.call-start
scs
__scs_entry_jumppad:
0x0: {  	(pc) =	sbr.rel $0x88, $3  }
0x1: {  	(tag) =	ssettag $0x0;
	lr =	simm.s32 $0x1  }
0x2: {  	[smem:$0x3F9E] =	sst lr;
	_ =	strace $0xD0000000  }
0x3: {  	_ = 	snop  }
0x4: {  	_ = 	snop  }
0x5: {  	_ = 	snop  }
0x6: {  	_ = 	snop  }
0x7: {  	_ = 	snop  }
__scs_overlays_trampoline_lowered:
0x8: {  	[smem:$0x3FAD] =	sst s0  }
0x9: {  	[smem:$0x3FAE] =	sst s1  }
0xa: {  	[smem:$0x3FAF] =	sst s2  }
0xb: {  	[smem:$0x3FB0] =	sst s3  }
0xc: {  	[smem:$0x3FB1] =	sst s4  }
0xd: {  	[smem:$0x3FB2] =	sst s5  }
0xe: {  	[smem:$0x3FB3] =	sst s6  }
0xf: {  	[smem:$0x3FB4] =	sst s7  }
0x10: {  	[smem:$0x3FB5] =	sst s8  }
0x11: {  	[smem:$0x3FB6] =	sst s9;
	s0 =	simm.s32 @!p0 $0x0  }
0x12: {  	s1 =	sld [smem:$0x3F9C];
	s0 =	simm.s32 @p0 $0x1  }
0x13: {  	[smem:$0x3FB7] =	sst s0;
	s0 =	simm.s32 @!p1 $0x0  }
0x14: {  	s2 =	sld [smem:$0x3F9B];
	s0 =	simm.s32 @p1 $0x1  }
0x15: {  	[smem:$0x3FB8] =	sst s0;
	s0 =	simm.s32 @!p2 $0x0  }
0x16: {  	s3 =	sld [smem:$0x3FDB];
	s0 =	simm.s32 @p2 $0x1  }
0x17: {  	s4 =	simm.s32 $0x1BF5;
	[smem:$0x3FBA] =	sst s0  }
0x18: {  	s0 =	sld [smem:$0x3F9D];
	_ =	swait.ge [sflag:s4], $0x0  }
0x19: {  	s7 =	sld [smem:$0x3F9E]  }
0x1a: {  	s8 =	sadd.s32 $0xFFFFE003, lr  }
0x1b: {  	s9 =	sadd.s32 $0xFFFFFEF7, lr;
	s5 =	simm.s32 $0xFFFFFFFF;
	p2 =	slt.u32 s8, $0xFFFFF086  }
0x1c: {  	p1 =	slt.u32 s9, $0xF7A;
	s5 =	simm.s32 @!p2 $0x0  }
0x1d: {  	s5 =	simm.s32 @p1 $0x1;
	p0 =	seq.s32 s7, s2  }
0x1e: {  	s7 =	smul.u32 @!p0 $0xF7A, s2;
	p2 =	seq.s32 @!p0 s5, $0x0  }
0x1f: {  	s9 =	smul.u32 $0xF7A, s1;
	s8 =	simm.s32 @!p0 $0x1BF5;
	p2 =	por !p2, p0  }
0x20: {  	[sflag:s8] =	ssyncset.s32 @!p0 $0xFFFFF086;
	s6 =	sadd.s32 @!p0 s3, s7;
	s7 =	simm.s32 @!p0 $0x108  }
0x21: {  	s3 =	sadd.s32 s3, s9;
	s6 =	sadd.s32 @!p0 $0x88, s6;
	s7 =	simm.s32 @p2 $0x1082  }
0x22: {  	[simem:s7], [sflag:s8] =	dma.local @!p0 [hbm:s6], $0xF7A  }
0x23: {  	s9 =	sor.u32 $0xD0000000, s2;
	s6 =	simm.s32 $0x108;
	_ =	swait.ge @!p0 [sflag:s8], $0x0  }
0x24: {  	s3 =	sadd.s32 $0x88, s3;
	s6 =	simm.s32 @!p1 $0x1082;
	[sflag:s4] =	ssyncset.s32 $0xFFFFF086  }
0x25: {  	[simem:s6], [sflag:s4] =	dma.local [hbm:s3], $0xF7A  }
0x26: {  	[smem:$0x3F9E] =	sst s1;
	(tag) =	ssettag s2;
	_ =	strace s9  }
0x27: {  	s1 =	sld [smem:$0x3FAE]  }
0x28: {  	s2 =	sld [smem:$0x3FAF]  }
0x29: {  	s4 =	sld [smem:$0x3FB1]  }
0x2a: {  	p0 =	seq.s32 s5, $0x0;
	s5 =	sld [smem:$0x3FB2]  }
0x2b: {  	s6 =	sld [smem:$0x3FB3]  }
0x2c: {  	s7 =	sld [smem:$0x3FB4]  }
0x2d: {  	s3 =	simm.s32 $0x108;
	s8 =	sld [smem:$0x3FB5]  }
0x2e: {  	s3 =	simm.s32 @!p0 $0x1082;
	s9 =	sld [smem:$0x3FB6]  }
0x2f: {  	lr =	sadd.s32 s0, s3;
	s0 =	sld [smem:$0x3FAD]  }
0x30: {  	s3 =	sld [smem:$0x3FB0]  }
0x31: {  	[smem:$0x3FB9] =	sst s10  }
0x32: {  	s10 =	sld [smem:$0x3FB7];
	_ =	sdelay $0x3  }
0x33: {  	p0 =	seq.s32 s10, $0x1;
	s10 =	sld [smem:$0x3FB9];
	_ =	sdelay $0x3  }
0x34: {  	[smem:$0x3FB9] =	sst s10  }
0x35: {  	s10 =	sld [smem:$0x3FB8];
	_ =	sdelay $0x3  }
0x36: {  	p1 =	seq.s32 s10, $0x1;
	s10 =	sld [smem:$0x3FB9];
	_ =	sdelay $0x3  }
0x37: {  	[smem:$0x3FB9] =	sst s10  }
0x38: {  	s10 =	sld [smem:$0x3FBA]  }
0x39: {  	_ = 	snop;
	(pc) =	sbr.ind lr, $3  }
0x3a: {  	_ = 	snop  }
0x3b: {  	_ = 	snop  }
0x3c: {  	p2 =	seq.s32 s10, $0x1;
	s10 =	sld [smem:$0x3FB9]  }
0x3d: {  	_ =	shalt  }
0x3e: {  	_ =	shalt  }
0x3f: {  	_ =	shalt  }
0x40: {  	_ =	shalt  }
0x41: {  	_ =	shalt  }
0x42: {  	_ =	shalt  }
0x43: {  	_ =	shalt  }
0x44: {  	_ =	shalt  }
0x45: {  	_ =	shalt  }
0x46: {  	_ =	shalt  }
0x47: {  	_ =	shalt  }
0x48: {  	_ =	shalt  }
0x49: {  	_ =	shalt  }
0x4a: {  	_ =	shalt  }
0x4b: {  	_ =	shalt  }
0x4c: {  	_ =	shalt  }
0x4d: {  	_ =	shalt  }
0x4e: {  	_ =	shalt  }
0x4f: {  	_ =	shalt  }
0x50: {  	_ =	shalt  }
0x51: {  	_ =	shalt  }
0x52: {  	_ =	shalt  }
0x53: {  	_ =	shalt  }
0x54: {  	_ =	shalt  }
0x55: {  	_ =	shalt  }
0x56: {  	_ =	shalt  }
0x57: {  	_ =	shalt  }
0x58: {  	_ =	shalt  }
0x59: {  	_ =	shalt  }
0x5a: {  	_ =	shalt  }
0x5b: {  	_ =	shalt  }
0x5c: {  	_ =	shalt  }
0x5d: {  	_ =	shalt  }
0x5e: {  	_ =	shalt  }
0x5f: {  	_ =	shalt  }
0x60: {  	_ =	shalt  }
0x61: {  	_ =	shalt  }
0x62: {  	_ =	shalt  }
0x63: {  	_ =	shalt  }
0x64: {  	_ =	shalt  }
0x65: {  	_ =	shalt  }
0x66: {  	_ =	shalt  }
0x67: {  	_ =	shalt  }
0x68: {  	_ =	shalt  }
0x69: {  	_ =	shalt  }
0x6a: {  	_ =	shalt  }
0x6b: {  	_ =	shalt  }
0x6c: {  	_ =	shalt  }
0x6d: {  	_ =	shalt  }
0x6e: {  	_ =	shalt  }
0x6f: {  	_ =	shalt  }
0x70: {  	_ =	shalt  }
0x71: {  	_ =	shalt  }
0x72: {  	_ =	shalt  }
0x73: {  	_ =	shalt  }
0x74: {  	_ =	shalt  }
0x75: {  	_ =	shalt  }
0x76: {  	_ =	shalt  }
0x77: {  	_ =	shalt  }
0x78: {  	_ =	shalt  }
0x79: {  	_ =	shalt  }
0x7a: {  	_ =	shalt  }
0x7b: {  	_ =	shalt  }
0x7c: {  	_ =	shalt  }
0x7d: {  	_ =	shalt  }
0x7e: {  	_ =	shalt  }
0x7f: {  	_ =	shalt  }
0x80: {  	_ =	shalt  }
0x81: {  	_ =	shalt  }
0x82: {  	_ =	shalt  }
0x83: {  	_ =	shalt  }
0x84: {  	_ =	shalt  }
0x85: {  	_ =	shalt  }
0x86: {  	_ =	shalt  }
0x87: {  	_ =	shalt  }
.Lfunc_end0:
.L_simem_size_0:
called_computation_lowered:
.L_overlay_start_0:
0x88: {  	s2 =	sld [smem:$0x3FD9]  }
0x89: {  	s3 =	sld [smem:$0x3FFE];
	_ =	sdelay $0x1  }
0x8a: {  	s1 =	srdreg.scid  }
0x8b: {  	s0 =	sand.u32 $0x1, s1  }
0x8c: {  	s17 =	sshll.u32 s0, $0xA;
	s2 =	sadd.s32 s3, s2  }
0x8d: {  	s2 =	sadd.s32 s2, s17  }
0x8e: {  	[smem:$0x3FC5] =	sst s2  }
0x8f: {  	_ = 	snop  }
0x90: {  	s2 =	sld [smem:$0x3FC9]  }
0x91: {  	s18 =	sld [smem:$0x3FC8]  }
0x92: {  	s4 =	sld [smem:$0x3FC7];
	(tm) =	ssettm $0x1  }
0x93: {  	s5 =	sld [smem:$0x3FFB];
	_ =	sdelay $0x3  }
0x94: {  	_ =	strace s5  }
0x95: {  	s5 =	sld [smem:$0x3FFC];
	_ =	sdelay $0x3  }
0x96: {  	_ =	strace s5  }
0x97: {  	s5 =	sld [smem:$0x3FFD];
	_ =	sdelay $0x3  }
0x98: {  	_ =	strace s5  }
0x99: {  	_ =	strace $0x8FFFFFFF  }
0x9a: {  	s19 =	sld [smem:$0x3FDB];
	_ =	sdelay $0x1  }
0x9b: {  	s6 =	simm.s32 $_scs_section_size  }
0x9c: {  	s7 =	simm.s32 $_size__tile_overlayer_lowered;
	s8 =	simm.s32 $_tile_overlayer_lowered  }
0x9d: {  	s22 =	simm.s32 $0x1BFF;
	s21 =	sshll.u32 s8, $0x1;
	s5 =	sadd.s32 s6, s19  }
0x9e: {  	s9 =	simm.s32 $0x0;
	s20 =	sshll.u32 s7, $0x1;
	s7 =	sadd.s32 s21, s5  }
0x9f: {  	[timem:s9], [sflag:s22] =	dma.local [hbm:s7], s20  }
0xa0: {  	_ =	swait.ge [sflag:s22], s20  }
0xa1: {  	s6 =	ssub.s32 $0x0, s20;
	[sflag:s22] =	ssyncset.done $0x0  }
0xa2: {  	[sflag:s22] =	ssyncadd.s32 s6;
	_ =	sdelay $0x1  }
0xa3: {  	s23 =	simm.s32 $0x1B8B  }
0xa4: {  	_ =	swait.ge [sflag:s23], $0x1  }
0xa5: {  	[sflag:s23] =	ssyncset.done $0x0  }
0xa6: {  	s25 =	simm.s32 $0x1B8E;
	s24 =	sld [smem:$0x3FFE];
	[sflag:s23] =	ssyncadd.s32 $0xFFFFFFFF  }
0xa7: {  	s26 =	simm.s32 $execute0_lowered;
	[smem:$0x3FD2] =	sst s25  }
0xa8: {  	s7 =	sshll.u32 s26, $0x1;
	_ =	strace $0x80000046;
	[dreg:$0x1] =	wrdreg $0xFFFFFFFF  }
0xa9: {  	s28 =	simm.s32 $_size_execute0_lowered;
	s5 =	sadd.s32 s5, s7;
	[dreg:$0x0] =	wrdreg $0x0  }
0xaa: {  	s7 =	sshll.u32 s28, $0x1;
	[dreg:$0x2] =	wrdreg s5  }
0xab: {  	[dreg:$0x3] =	wrdreg s7  }
0xac: {  	[dreg:$0x4] =	wrdreg $0xC0  }
0xad: {  	_ =	task [dreg:s9], $0x5FFFF  }
0xae: {  	[dreg:$0x1] =	wrdreg $0xFFFFFFFF  }
0xaf: {  	[dreg:$0x0] =	wrdreg $0x60  }
0xb0: {  	[dreg:$0x2] =	wrdreg s18  }
0xb1: {  	[dreg:$0x3] =	wrdreg s2  }
0xb2: {  	[dreg:$0x4] =	wrdreg s4  }
0xb3: {  	[dreg:$0x5] =	wrdreg s24  }
0xb4: {  	[dreg:$0x6] =	wrdreg $0x9  }
0xb5: {  	_ =	task.clear_ibuf [dreg:s9], $0x7FFFF;
	_ =	strace $0x90000046  }
0xb6: {  	s29 =	simm.s32 $0x9;
	_ =	strace $0x80000048  }
0xb7: {  	_ =	swait.ge [sflag:s29], $0x1  }
0xb8: {  	[sflag:s29] =	ssyncadd.s32 $0xFFFFFFFF  }
0xb9: {  	_ =	strace $0x90000048  }
0xba: {  	_ =	sfence  }
0xbb: {  	s30 =	sld [smem:$0x0];
	_ =	sdelay $0x2  }
0xbc: {  	s31 =	sshll.u32 s1, $0xD;
	s1 =	sshrl.u32 s1, $0x2  }
0xbd: {  	s3 =	sand.u32 $0x4000, s31;
	s1 =	sadd.s32 s1, s30  }
0xbe: {  	s0 =	sor.u32 s3, s0;
	s1 =	sshll.u32 s1, $0x11  }
0xbf: {  	s0 =	sor.u32 s1, s0  }
0xc0: {  	s0 =	sadd.s32 $0x8F2B, s0  }
0xc1: {  	[sflag:s0] =	ssyncadd.remote.s32 $0x1  }
0xc2: {  	_ =	sfence.sel $0xFFFF  }
0xc3: {  	[dreg:$0x0] =	wrdreg $0xFFFFFFFF;
	(pc) =	sbr.abs _section_cstart, $3  }
0xc4: {  	[dreg:$0x1] =	wrdreg $0xFFFFFFFF  }
0xc5: {  	_ =	task.clear_ibuf [dreg:s9], $0x2FFFF;
	_ =	strace $0x9FFFFFFF  }
0xc6: {  	(tm) =	ssettm $0x7FFFFFFF  }
0xc7: {  	_ =	shalt  }
tec
execute0_lowered:
.L_overlay_start_1:
0x0: {  	(tag) =	ssettag $0x1  }
0x1: {  	s1 =	rddreg [dreg:$0x0]  }
0x2: {  	s6 =	rddreg [dreg:$0x1]  }
0x3: {  	s2 =	srdreg.scid;
	s4 =	rddreg [dreg:$0x2]  }
0x4: {  	s0 =	stileid.u32;
	s7 =	rddreg [dreg:$0x3]  }
0x5: {  	s3 =	simm.s32 $0x0;
	s11 =	simm.s32 $0x2;
	s12 =	simm.s32 $0x300  }
0x6: {  	s13 =	simm.s32 $0x4300;
	s14 =	simm.s32 $0x180;
	s15 =	simm.s32 $0xC300  }
0x7: {  	s16 =	simm.s32 $0x280;
	s17 =	simm.s32 $0x14300;
	s18 =	simm.s32 $0x1  }
0x8: {  	s19 =	simm.s32 $0x1C300;
	s5 =	sand.u32 $0x1, s2;
	s29 =	sshll.u32 s0, $0x1  }
0x9: {  	s20 =	simm.s32 $0x3;
	[smem:$0x7FF] =	sst s3;
	s8 =	sor.u32 s5, s29  }
0xa: {  	s21 =	simm.s32 $0x0;
	_ =	strace $0x80000047;
	s9 =	smul.u32 $0x50, s8  }
0xb: {  	s5 =	ssub.s32 $0x2, s5;
	s10 =	smul.u32 $0x600, s8;
	s31 =	sshll.u32 s8, $0x4  }
0xc: {  	s30 =	sshrl.u32 s5, $0x1;
	s8 =	sshll.u32 s8, $0xB;
	s4 =	sadd.s32 s4, s31  }
0xd: {  	s6 =	sadd.s32 s6, s8;
	s9 =	sadd.s32 s9, s7;
	s7 =	sadd.s32 s10, s7  }
0xe: {  	s10 =	ssub.s32 s5, s30;
	s5 =	sadd.s32 $0x600, s9;
	s7 =	sadd.s32 $0x1000, s7  }
0xf: {  	s8 =	smax.u32 s10, $0x1;
	s9 =	simm.s32 $0x80;
	s10 =	simm.s32 $0x18300  }
.LBB2_1:
0x10: {  	[tilespmem:s3], [sflag:$0x2] =	stream.linear.gather [hbm4b:s4+s3], $0x80, $0x38;
	[tilespmem:$0x1F300] =	vst v63  }
0x11: {  	_ = 	snop  }
0x12: {  	[tilespmem:s9], [sflag:$0x2] =	stream.linear.gather [hbm4b:s5+s3], $0x280, $0x38;
	[tilespmem:$0x1F300] =	vst v63  }
0x13: {  	_ = 	snop  }
0x14: {  	[tilespmem:s10], [sflag:$0x2] =	stream.linear.gather [hbm4b:s6+s3], $0x4000, $0x38;
	[tilespmem:$0x1F300] =	vst v63  }
0x15: {  	_ =	swait.ge [sflag:s11], $0x80  }
0x16: {  	[sflag:s11] =	ssyncset.done $0x0  }
0x17: {  	[sflag:s11] =	ssyncadd.s32 $0xFFFFFF80  }
0x18: {  	[tilespmem:s12], [sflag:$0x1] =	stream.indirect.gather [hbm4b:s1+s9], $0x80, s3, s9, $0xb8;
	[tilespmem:$0x1F300] =	vst v63  }
0x19: {  	_ =	swait.ge [sflag:s11], $0x280  }
0x1a: {  	[sflag:s11] =	ssyncset.done $0x0  }
0x1b: {  	s22 =	simm.s32 $0x100;
	[sflag:s11] =	ssyncadd.s32 $0xFFFFFD80  }
0x1c: {  	[tilespmem:s13], [sflag:$0x1] =	stream.indirect.gather [hbm4b:s1+s22], $0x80, s9, s22, $0xb8;
	[tilespmem:$0x1F300] =	vst v63  }
0x1d: {  	_ = 	snop  }
0x1e: {  	[tilespmem:s15], [sflag:$0x1] =	stream.indirect.gather [hbm4b:s1+s22], $0x80, s14, s22, $0xb8;
	[tilespmem:$0x1F300] =	vst v63  }
0x1f: {  	_ = 	snop  }
0x20: {  	[tilespmem:s17], [sflag:$0x1] =	stream.indirect.gather [hbm4b:s1+s9], $0x80, s16, s9, $0xb8;
	[tilespmem:$0x1F300] =	vst v63  }
0x21: {  	_ =	swait.ge [sflag:s11], $0x4000  }
0x22: {  	[sflag:s11] =	ssyncset.done $0x0  }
0x23: {  	[sflag:s11] =	ssyncadd.s32 $0xFFFFC000  }
0x24: {  	_ =	swait.ge [sflag:s18], $0x4000  }
0x25: {  	[sflag:s18] =	ssyncset.done $0x0  }
0x26: {  	[sflag:s18] =	ssyncadd.s32 $0xFFFFC000  }
0x27: {  	_ =	swait.ge [sflag:s18], $0x8000  }
0x28: {  	s23 =	simm.s32 $0x84;
	s24 =	simm.s32 $0x0;
	[sflag:s18] =	ssyncset.done $0x0  }
0x29: {  	s25 =	simm.s32 $0x0;
	s26 =	simm.s32 $0x0;
	[sflag:s18] =	ssyncadd.s32 $0xFFFF8000  }
.LBB2_2:
0x2a: {  	s28 =	sshra.s32 s22, $0x2  }
0x2b: {  	v0 =	vld [tilespmem:s28+$0x182C0]  }
0x2c: {  	v1 =	vld [tilespmem:s28+$0x182D0]  }
0x2d: {  	v2 =	vld [tilespmem:s28+$0x182E0]  }
0x2e: {  	v3 =	vld [tilespmem:s28+$0x182F0]  }
0x2f: {  	v4 =	vld [tilespmem:s28+$0x18300]  }
0x30: {  	v5 =	vld [tilespmem:s28+$0x18310]  }
0x31: {  	v6 =	vld [tilespmem:s28+$0x18320]  }
0x32: {  	v7 =	vld [tilespmem:s28+$0x18330]  }
0x33: {  	v8 =	vld [tilespmem:s28+$0x2C0]  }
0x34: {  	v9 =	vld [tilespmem:s28+$0x2D0]  }
0x35: {  	v10 =	vld [tilespmem:s28+$0x2E0]  }
0x36: {  	v11 =	vld [tilespmem:s28+$0x2F0]  }
0x37: {  	v12 =	vld [tilespmem:s28+$0x300]  }
0x38: {  	v13 =	vld [tilespmem:s28+$0x310]  }
0x39: {  	v14 =	vld [tilespmem:s28+$0x320]  }
0x3a: {  	v15 =	vld [tilespmem:s28+$0x330];
	_ =	sdelay $0x1  }
0x3b: {  	v8 =	vmul.f32 v8, v0;
	v9 =	vmul.f32 v9, v1  }
0x3c: {  	v10 =	vmul.f32 v10, v2;
	v11 =	vmul.f32 v11, v3  }
0x3d: {  	v12 =	vmul.f32 v12, v4;
	v13 =	vmul.f32 v13, v5  }
0x3e: {  	v14 =	vmul.f32 v14, v6;
	v15 =	vmul.f32 v15, v7  }
0x3f: {  	v8 =	vadd.f32 v9, v8;
	v53 =	vadd.f32 v11, v10  }
0x40: {  	v54 =	vadd.f32 v13, v12;
	v55 =	vadd.f32 v15, v14;
	_ =	sdelay $0x1  }
0x41: {  	v8 =	vadd.f32 v53, v8;
	v56 =	vadd.f32 v55, v54;
	_ =	sdelay $0x1  }
0x42: {  	s30 =	sand.u32 $0x70, s24;
	s29 =	sand.u32 $0x1C00, s25;
	v8 =	vadd.f32 v56, v8  }
0x43: {  	s28 =	sor.u32 s30, s29  }
0x44: {  	s29 =	sshra.s32 s26, $0x2;
	[tilespmem:s28+$0x1C300] =	vst v8  }
0x45: {  	v8 =	vld [tilespmem:s29+$0x4300]  }
0x46: {  	v57 =	vld [tilespmem:s29+$0x4310]  }
0x47: {  	v58 =	vld [tilespmem:s29+$0x4320]  }
0x48: {  	v59 =	vld [tilespmem:s29+$0x4330]  }
0x49: {  	v60 =	vld [tilespmem:s29+$0x4340]  }
0x4a: {  	v61 =	vld [tilespmem:s29+$0x4350]  }
0x4b: {  	v62 =	vld [tilespmem:s29+$0x4360]  }
0x4c: {  	v63 =	vld [tilespmem:s29+$0x4370];
	_ =	sdelay $0x1  }
0x4d: {  	s28 =	smul.u32 $0xAAAB, s23;
	v8 =	vmul.f32 v8, v0;
	v9 =	vmul.f32 v57, v1  }
0x4e: {  	v10 =	vmul.f32 v58, v2;
	v11 =	vmul.f32 v59, v3  }
0x4f: {  	s30 =	sadd.s32 $0xFFFD5554, s28;
	v12 =	vmul.f32 v60, v4;
	v13 =	vmul.f32 v61, v5  }
0x50: {  	s31 =	sshrl.u32 s30, $0x16;
	v14 =	vmul.f32 v62, v6;
	v15 =	vmul.f32 v63, v7  }
0x51: {  	s31 =	smul.u32 $0x60, s31;
	v8 =	vadd.f32 v9, v8;
	v16 =	vadd.f32 v11, v10  }
0x52: {  	v17 =	vadd.f32 v13, v12;
	v18 =	vadd.f32 v15, v14  }
0x53: {  	s2 =	sshrl.u32 s30, $0x19;
	s31 =	ssub.s32 s23, s31  }
0x54: {  	s2 =	smul.u32 $0xC000, s2;
	s31 =	sadd.s32 $0xFFFFFFFC, s31;
	v8 =	vadd.f32 v16, v8;
	v19 =	vadd.f32 v18, v17  }
0x55: {  	s0 =	sshll.u32 s31, $0x7  }
0x56: {  	s30 =	sshrl.u32 s30, $0xF;
	s2 =	sshrl.u32 s2, $0x2;
	s0 =	sand.u32 $0x3C00, s0;
	v8 =	vadd.f32 v19, v8  }
0x57: {  	s30 =	sand.u32 $0x380, s30;
	s31 =	sshll.u32 s31, $0x4;
	s0 =	sadd.s32 s0, s2  }
0x58: {  	s31 =	sand.u32 $0x70, s31;
	s0 =	sor.u32 s30, s0;
	v8 =	vsub.f32 $0.0e+00, v8  }
0x59: {  	s0 =	sor.u32 s31, s0  }
0x5a: {  	[tilespmem:s0+$0x1C300] =	vst v8  }
0x5b: {  	v8 =	vld [tilespmem:s29+$0x4380]  }
0x5c: {  	v20 =	vld [tilespmem:s29+$0x4390]  }
0x5d: {  	v21 =	vld [tilespmem:s29+$0x43A0]  }
0x5e: {  	v22 =	vld [tilespmem:s29+$0x43B0]  }
0x5f: {  	v23 =	vld [tilespmem:s29+$0x43C0]  }
0x60: {  	v24 =	vld [tilespmem:s29+$0x43D0]  }
0x61: {  	v25 =	vld [tilespmem:s29+$0x43E0]  }
0x62: {  	v26 =	vld [tilespmem:s29+$0x43F0];
	_ =	sdelay $0x1  }
0x63: {  	v8 =	vmul.f32 v8, v0;
	v9 =	vmul.f32 v20, v1  }
0x64: {  	v10 =	vmul.f32 v21, v2;
	v11 =	vmul.f32 v22, v3  }
0x65: {  	s0 =	sadd.s32 $0xFFFDFFFF, s28;
	v12 =	vmul.f32 v23, v4;
	v13 =	vmul.f32 v24, v5  }
0x66: {  	s30 =	sshrl.u32 s0, $0x16;
	v14 =	vmul.f32 v25, v6;
	v15 =	vmul.f32 v26, v7  }
0x67: {  	s2 =	smul.u32 $0x60, s30;
	v8 =	vadd.f32 v9, v8;
	v27 =	vadd.f32 v11, v10  }
0x68: {  	v28 =	vadd.f32 v13, v12;
	v29 =	vadd.f32 v15, v14  }
0x69: {  	s31 =	sshrl.u32 s0, $0x19;
	s2 =	ssub.s32 s23, s2  }
0x6a: {  	s30 =	smul.u32 $0xC000, s31;
	s2 =	sadd.s32 $0xFFFFFFFD, s2;
	v8 =	vadd.f32 v27, v8;
	v30 =	vadd.f32 v29, v28  }
0x6b: {  	s31 =	sshll.u32 s2, $0x7  }
0x6c: {  	s0 =	sshrl.u32 s0, $0xF;
	s30 =	sshrl.u32 s30, $0x2;
	s31 =	sand.u32 $0x3C00, s31;
	v8 =	vadd.f32 v30, v8  }
0x6d: {  	s0 =	sand.u32 $0x380, s0;
	s2 =	sshll.u32 s2, $0x4;
	s30 =	sadd.s32 s31, s30  }
0x6e: {  	s2 =	sand.u32 $0x70, s2;
	s0 =	sor.u32 s0, s30;
	v8 =	vsub.f32 $0.0e+00, v8  }
0x6f: {  	s0 =	sor.u32 s2, s0  }
0x70: {  	[tilespmem:s0+$0x1C300] =	vst v8  }
0x71: {  	v8 =	vld [tilespmem:s29+$0x4400]  }
0x72: {  	v31 =	vld [tilespmem:s29+$0x4410]  }
0x73: {  	v32 =	vld [tilespmem:s29+$0x4420]  }
0x74: {  	v33 =	vld [tilespmem:s29+$0x4430]  }
0x75: {  	v34 =	vld [tilespmem:s29+$0x4440]  }
0x76: {  	v35 =	vld [tilespmem:s29+$0x4450]  }
0x77: {  	v36 =	vld [tilespmem:s29+$0x4460]  }
0x78: {  	v37 =	vld [tilespmem:s29+$0x4470];
	_ =	sdelay $0x1  }
0x79: {  	v8 =	vmul.f32 v8, v0;
	v9 =	vmul.f32 v31, v1  }
0x7a: {  	v10 =	vmul.f32 v32, v2;
	v11 =	vmul.f32 v33, v3  }
0x7b: {  	s0 =	sadd.s32 $0xFFFEAAAA, s28;
	v12 =	vmul.f32 v34, v4;
	v13 =	vmul.f32 v35, v5  }
0x7c: {  	s30 =	sshrl.u32 s0, $0x16;
	v14 =	vmul.f32 v36, v6;
	v15 =	vmul.f32 v37, v7  }
0x7d: {  	s2 =	smul.u32 $0x60, s30;
	v8 =	vadd.f32 v9, v8;
	v38 =	vadd.f32 v11, v10  }
0x7e: {  	v39 =	vadd.f32 v13, v12;
	v40 =	vadd.f32 v15, v14  }
0x7f: {  	s31 =	sshrl.u32 s0, $0x19;
	s2 =	ssub.s32 s23, s2  }
0x80: {  	s30 =	smul.u32 $0xC000, s31;
	s2 =	sadd.s32 $0xFFFFFFFE, s2;
	v8 =	vadd.f32 v38, v8;
	v41 =	vadd.f32 v40, v39  }
0x81: {  	s31 =	sshll.u32 s2, $0x7  }
0x82: {  	s0 =	sshrl.u32 s0, $0xF;
	s30 =	sshrl.u32 s30, $0x2;
	s31 =	sand.u32 $0x3C00, s31;
	v8 =	vadd.f32 v41, v8  }
0x83: {  	s0 =	sand.u32 $0x380, s0;
	s2 =	sshll.u32 s2, $0x4;
	s30 =	sadd.s32 s31, s30  }
0x84: {  	s2 =	sand.u32 $0x70, s2;
	s0 =	sor.u32 s0, s30;
	v8 =	vsub.f32 $0.0e+00, v8  }
0x85: {  	s0 =	sor.u32 s2, s0  }
0x86: {  	[tilespmem:s0+$0x1C300] =	vst v8  }
0x87: {  	v8 =	vld [tilespmem:s29+$0x4480]  }
0x88: {  	v42 =	vld [tilespmem:s29+$0x4490]  }
0x89: {  	v43 =	vld [tilespmem:s29+$0x44A0]  }
0x8a: {  	v44 =	vld [tilespmem:s29+$0x44B0]  }
0x8b: {  	v45 =	vld [tilespmem:s29+$0x44C0]  }
0x8c: {  	v46 =	vld [tilespmem:s29+$0x44D0]  }
0x8d: {  	v47 =	vld [tilespmem:s29+$0x44E0]  }
0x8e: {  	v48 =	vld [tilespmem:s29+$0x44F0];
	_ =	sdelay $0x1  }
0x8f: {  	v8 =	vmul.f32 v8, v0;
	v9 =	vmul.f32 v42, v1  }
0x90: {  	v10 =	vmul.f32 v43, v2;
	v11 =	vmul.f32 v44, v3  }
0x91: {  	s0 =	sadd.s32 $0xFFFF5555, s28;
	v12 =	vmul.f32 v45, v4;
	v13 =	vmul.f32 v46, v5  }
0x92: {  	s30 =	sshrl.u32 s0, $0x16;
	v14 =	vmul.f32 v47, v6;
	v15 =	vmul.f32 v48, v7  }
0x93: {  	s2 =	smul.u32 $0x60, s30;
	v8 =	vadd.f32 v9, v8;
	v49 =	vadd.f32 v11, v10  }
0x94: {  	v50 =	vadd.f32 v13, v12;
	v51 =	vadd.f32 v15, v14  }
0x95: {  	s31 =	sshrl.u32 s0, $0x19;
	s2 =	sxor.u32 $0xFFFFFFFF, s2  }
0x96: {  	s30 =	smul.u32 $0xC000, s31;
	s2 =	sadd.s32 s23, s2;
	v8 =	vadd.f32 v49, v8;
	v52 =	vadd.f32 v51, v50  }
0x97: {  	s31 =	sshll.u32 s2, $0x7  }
0x98: {  	s0 =	sshrl.u32 s0, $0xF;
	s30 =	sshrl.u32 s30, $0x2;
	s31 =	sand.u32 $0x3C00, s31;
	v8 =	vadd.f32 v52, v8  }
0x99: {  	s0 =	sand.u32 $0x380, s0;
	s2 =	sshll.u32 s2, $0x4;
	s30 =	sadd.s32 s31, s30  }
0x9a: {  	s2 =	sand.u32 $0x70, s2;
	s0 =	sor.u32 s0, s30;
	v8 =	vsub.f32 $0.0e+00, v8  }
0x9b: {  	s0 =	sor.u32 s2, s0  }
0x9c: {  	[tilespmem:s0+$0x1C300] =	vst v8  }
0x9d: {  	v8 =	vld [tilespmem:s29+$0x4500]  }
0x9e: {  	v53 =	vld [tilespmem:s29+$0x4510]  }
0x9f: {  	v54 =	vld [tilespmem:s29+$0x4520]  }
0xa0: {  	v55 =	vld [tilespmem:s29+$0x4530]  }
0xa1: {  	v56 =	vld [tilespmem:s29+$0x4540]  }
0xa2: {  	v57 =	vld [tilespmem:s29+$0x4550]  }
0xa3: {  	v58 =	vld [tilespmem:s29+$0x4560]  }
0xa4: {  	v59 =	vld [tilespmem:s29+$0x4570];
	_ =	sdelay $0x1  }
0xa5: {  	v0 =	vmul.f32 v8, v0;
	v1 =	vmul.f32 v53, v1  }
0xa6: {  	v2 =	vmul.f32 v54, v2;
	v3 =	vmul.f32 v55, v3  }
0xa7: {  	v4 =	vmul.f32 v56, v4;
	v5 =	vmul.f32 v57, v5  }
0xa8: {  	v6 =	vmul.f32 v58, v6;
	v7 =	vmul.f32 v59, v7  }
0xa9: {  	s29 =	sshrl.u32 s28, $0x16;
	v0 =	vadd.f32 v1, v0;
	v60 =	vadd.f32 v3, v2  }
0xaa: {  	s30 =	sshrl.u32 s28, $0x19;
	s0 =	smul.u32 $0x60, s29;
	v61 =	vadd.f32 v5, v4;
	v62 =	vadd.f32 v7, v6  }
0xab: {  	s2 =	smul.u32 $0xC000, s30  }
0xac: {  	s0 =	ssub.s32 s23, s0;
	v0 =	vadd.f32 v60, v0;
	v63 =	vadd.f32 v62, v61  }
0xad: {  	p0 =	sne.s32 s26, $0x1F400;
	s2 =	sshrl.u32 s2, $0x2;
	s31 =	sshll.u32 s0, $0x7  }
.Ltmp0:
0xae: {  	s28 =	sshrl.u32 s28, $0xF;
	s29 =	sand.u32 $0x3C00, s31;
	v0 =	vadd.f32 v63, v0;
	(pc) =	sbr.rel @p0 .LBB2_2-.Ltmp0, $4  }
0xaf: {  	s28 =	sand.u32 $0x380, s28;
	s0 =	sshll.u32 s0, $0x4;
	s2 =	sadd.s32 s29, s2  }
0xb0: {  	s0 =	sand.u32 $0x70, s0;
	s2 =	sor.u32 s28, s2;
	v0 =	vsub.f32 $0.0e+00, v0  }
0xb1: {  	s25 =	sadd.s32 $0x80, s25;
	s24 =	sadd.s32 $0x10, s24;
	s0 =	sor.u32 s0, s2  }
0xb2: {  	s22 =	sadd.s32 $0x200, s22;
	s26 =	sadd.s32 $0xA00, s26;
	s23 =	sadd.s32 $0x5, s23;
	[tilespmem:s0+$0x1C300] =	vst v0  }
0xb3: {  	_ =	swait.ge [sflag:s18], $0x8000  }
0xb4: {  	s22 =	simm.s32 $0x33;
	s23 =	simm.s32 $0x0;
	[sflag:s18] =	ssyncset.done $0x0  }
0xb5: {  	s24 =	simm.s32 $0x183;
	s25 =	simm.s32 $0x6600;
	[sflag:s18] =	ssyncadd.s32 $0xFFFF8000  }
.LBB2_4:
0xb6: {  	s0 =	sshra.s32 s25, $0x2  }
0xb7: {  	v0 =	vld [tilespmem:s0+$0x18300]  }
0xb8: {  	v1 =	vld [tilespmem:s0+$0x18310]  }
0xb9: {  	v2 =	vld [tilespmem:s0+$0x18320]  }
0xba: {  	v3 =	vld [tilespmem:s0+$0x18330]  }
0xbb: {  	v4 =	vld [tilespmem:s0+$0x18340]  }
0xbc: {  	v5 =	vld [tilespmem:s0+$0x18350]  }
0xbd: {  	v6 =	vld [tilespmem:s0+$0x18360]  }
0xbe: {  	v7 =	vld [tilespmem:s0+$0x18370]  }
0xbf: {  	v8 =	vld [tilespmem:s0+$0x300]  }
0xc0: {  	v9 =	vld [tilespmem:s0+$0x310]  }
0xc1: {  	v10 =	vld [tilespmem:s0+$0x320]  }
0xc2: {  	v11 =	vld [tilespmem:s0+$0x330]  }
0xc3: {  	v12 =	vld [tilespmem:s0+$0x340]  }
0xc4: {  	v13 =	vld [tilespmem:s0+$0x350]  }
0xc5: {  	v14 =	vld [tilespmem:s0+$0x360]  }
0xc6: {  	v15 =	vld [tilespmem:s0+$0x370];
	_ =	sdelay $0x1  }
0xc7: {  	v8 =	vmul.f32 v8, v0;
	v9 =	vmul.f32 v9, v1  }
0xc8: {  	v10 =	vmul.f32 v10, v2;
	v11 =	vmul.f32 v11, v3  }
0xc9: {  	v12 =	vmul.f32 v12, v4;
	v13 =	vmul.f32 v13, v5  }
0xca: {  	v14 =	vmul.f32 v14, v6;
	v15 =	vmul.f32 v15, v7  }
0xcb: {  	v8 =	vadd.f32 v9, v8;
	v53 =	vadd.f32 v11, v10  }
0xcc: {  	s30 =	sadd.s32 $0xFFFFFFA0, s22;
	v54 =	vadd.f32 v13, v12;
	v55 =	vadd.f32 v15, v14  }
0xcd: {  	s0 =	smin.u32 s22, s30  }
0xce: {  	p0 =	sgt.u32 s22, $0x5F;
	s26 =	simm.s32 $0x80;
	s2 =	sshll.u32 s0, $0x7;
	v8 =	vadd.f32 v53, v8;
	v56 =	vadd.f32 v55, v54  }
0xcf: {  	s26 =	simm.s32 @!p0 $0x0;
	s0 =	sshll.u32 s0, $0x4;
	s2 =	sand.u32 $0x3C00, s2  }
0xd0: {  	s0 =	sand.u32 $0x70, s0;
	s2 =	sor.u32 s26, s2;
	v8 =	vadd.f32 v56, v8  }
0xd1: {  	s0 =	sor.u32 s0, s2  }
0xd2: {  	s28 =	sshra.s32 s23, $0x2;
	[tilespmem:s0+$0x1C300] =	vst v8  }
0xd3: {  	v8 =	vld [tilespmem:s28+$0xC280]  }
0xd4: {  	v57 =	vld [tilespmem:s28+$0xC290]  }
0xd5: {  	v58 =	vld [tilespmem:s28+$0xC2A0]  }
0xd6: {  	v59 =	vld [tilespmem:s28+$0xC2B0]  }
0xd7: {  	v60 =	vld [tilespmem:s28+$0xC2C0]  }
0xd8: {  	v61 =	vld [tilespmem:s28+$0xC2D0]  }
0xd9: {  	v62 =	vld [tilespmem:s28+$0xC2E0]  }
0xda: {  	v63 =	vld [tilespmem:s28+$0xC2F0];
	_ =	sdelay $0x1  }
0xdb: {  	s26 =	smul.u32 $0xAAAB, s24;
	v8 =	vmul.f32 v8, v0;
	v9 =	vmul.f32 v57, v1  }
0xdc: {  	v10 =	vmul.f32 v58, v2;
	v11 =	vmul.f32 v59, v3  }
0xdd: {  	s0 =	sadd.s32 $0xFFFD5554, s26;
	v12 =	vmul.f32 v60, v4;
	v13 =	vmul.f32 v61, v5  }
0xde: {  	s31 =	sshrl.u32 s0, $0x16;
	v14 =	vmul.f32 v62, v6;
	v15 =	vmul.f32 v63, v7  }
0xdf: {  	s2 =	smul.u32 $0x60, s31;
	v8 =	vadd.f32 v9, v8;
	v16 =	vadd.f32 v11, v10  }
0xe0: {  	v17 =	vadd.f32 v13, v12;
	v18 =	vadd.f32 v15, v14  }
0xe1: {  	s29 =	sshrl.u32 s0, $0x19;
	s2 =	ssub.s32 s24, s2  }
0xe2: {  	s29 =	smul.u32 $0xC000, s29;
	s2 =	sadd.s32 $0xFFFFFFFC, s2;
	v8 =	vadd.f32 v16, v8;
	v19 =	vadd.f32 v18, v17  }
0xe3: {  	s30 =	sshll.u32 s2, $0x7  }
0xe4: {  	s0 =	sshrl.u32 s0, $0xF;
	s29 =	sshrl.u32 s29, $0x2;
	s30 =	sand.u32 $0x3C00, s30;
	v8 =	vadd.f32 v19, v8  }
0xe5: {  	s0 =	sand.u32 $0x380, s0;
	s2 =	sshll.u32 s2, $0x4;
	s29 =	sadd.s32 s30, s29  }
0xe6: {  	s2 =	sand.u32 $0x70, s2;
	s0 =	sor.u32 s0, s29;
	v8 =	vsub.f32 $0.0e+00, v8  }
0xe7: {  	s0 =	sor.u32 s2, s0  }
0xe8: {  	[tilespmem:s0+$0x1C300] =	vst v8  }
0xe9: {  	v8 =	vld [tilespmem:s28+$0xC300]  }
0xea: {  	v20 =	vld [tilespmem:s28+$0xC310]  }
0xeb: {  	v21 =	vld [tilespmem:s28+$0xC320]  }
0xec: {  	v22 =	vld [tilespmem:s28+$0xC330]  }
0xed: {  	v23 =	vld [tilespmem:s28+$0xC340]  }
0xee: {  	v24 =	vld [tilespmem:s28+$0xC350]  }
0xef: {  	v25 =	vld [tilespmem:s28+$0xC360]  }
0xf0: {  	v26 =	vld [tilespmem:s28+$0xC370];
	_ =	sdelay $0x1  }
0xf1: {  	v8 =	vmul.f32 v8, v0;
	v9 =	vmul.f32 v20, v1  }
0xf2: {  	v10 =	vmul.f32 v21, v2;
	v11 =	vmul.f32 v22, v3  }
0xf3: {  	s0 =	sadd.s32 $0xFFFDFFFF, s26;
	v12 =	vmul.f32 v23, v4;
	v13 =	vmul.f32 v24, v5  }
0xf4: {  	s29 =	sshrl.u32 s0, $0x16;
	v14 =	vmul.f32 v25, v6;
	v15 =	vmul.f32 v26, v7  }
0xf5: {  	s2 =	smul.u32 $0x60, s29;
	v8 =	vadd.f32 v9, v8;
	v27 =	vadd.f32 v11, v10  }
0xf6: {  	v28 =	vadd.f32 v13, v12;
	v29 =	vadd.f32 v15, v14  }
0xf7: {  	s30 =	sshrl.u32 s0, $0x19;
	s2 =	ssub.s32 s24, s2  }
0xf8: {  	s29 =	smul.u32 $0xC000, s30;
	s2 =	sadd.s32 $0xFFFFFFFD, s2;
	v8 =	vadd.f32 v27, v8;
	v30 =	vadd.f32 v29, v28  }
0xf9: {  	s31 =	sshll.u32 s2, $0x7  }
0xfa: {  	s0 =	sshrl.u32 s0, $0xF;
	s29 =	sshrl.u32 s29, $0x2;
	s30 =	sand.u32 $0x3C00, s31;
	v8 =	vadd.f32 v30, v8  }
0xfb: {  	s0 =	sand.u32 $0x380, s0;
	s2 =	sshll.u32 s2, $0x4;
	s29 =	sadd.s32 s30, s29  }
0xfc: {  	s2 =	sand.u32 $0x70, s2;
	s0 =	sor.u32 s0, s29;
	v8 =	vsub.f32 $0.0e+00, v8  }
0xfd: {  	s0 =	sor.u32 s2, s0  }
0xfe: {  	[tilespmem:s0+$0x1C300] =	vst v8  }
0xff: {  	v8 =	vld [tilespmem:s28+$0xC380]  }
0x100: {  	v31 =	vld [tilespmem:s28+$0xC390]  }
0x101: {  	v32 =	vld [tilespmem:s28+$0xC3A0]  }
0x102: {  	v33 =	vld [tilespmem:s28+$0xC3B0]  }
0x103: {  	v34 =	vld [tilespmem:s28+$0xC3C0]  }
0x104: {  	v35 =	vld [tilespmem:s28+$0xC3D0]  }
0x105: {  	v36 =	vld [tilespmem:s28+$0xC3E0]  }
0x106: {  	v37 =	vld [tilespmem:s28+$0xC3F0];
	_ =	sdelay $0x1  }
0x107: {  	v8 =	vmul.f32 v8, v0;
	v9 =	vmul.f32 v31, v1  }
0x108: {  	v10 =	vmul.f32 v32, v2;
	v11 =	vmul.f32 v33, v3  }
0x109: {  	s0 =	sadd.s32 $0xFFFEAAAA, s26;
	v12 =	vmul.f32 v34, v4;
	v13 =	vmul.f32 v35, v5  }
0x10a: {  	s29 =	sshrl.u32 s0, $0x16;
	v14 =	vmul.f32 v36, v6;
	v15 =	vmul.f32 v37, v7  }
0x10b: {  	s2 =	smul.u32 $0x60, s29;
	v8 =	vadd.f32 v9, v8;
	v38 =	vadd.f32 v11, v10  }
0x10c: {  	v39 =	vadd.f32 v13, v12;
	v40 =	vadd.f32 v15, v14  }
0x10d: {  	s30 =	sshrl.u32 s0, $0x19;
	s2 =	ssub.s32 s24, s2  }
0x10e: {  	s29 =	smul.u32 $0xC000, s30;
	s2 =	sadd.s32 $0xFFFFFFFE, s2;
	v8 =	vadd.f32 v38, v8;
	v41 =	vadd.f32 v40, v39  }
0x10f: {  	s31 =	sshll.u32 s2, $0x7  }
0x110: {  	s0 =	sshrl.u32 s0, $0xF;
	s29 =	sshrl.u32 s29, $0x2;
	s30 =	sand.u32 $0x3C00, s31;
	v8 =	vadd.f32 v41, v8  }
0x111: {  	s0 =	sand.u32 $0x380, s0;
	s2 =	sshll.u32 s2, $0x4;
	s29 =	sadd.s32 s30, s29  }
0x112: {  	s2 =	sand.u32 $0x70, s2;
	s0 =	sor.u32 s0, s29;
	v8 =	vsub.f32 $0.0e+00, v8  }
0x113: {  	s0 =	sor.u32 s2, s0  }
0x114: {  	[tilespmem:s0+$0x1C300] =	vst v8  }
0x115: {  	v8 =	vld [tilespmem:s28+$0xC400]  }
0x116: {  	v42 =	vld [tilespmem:s28+$0xC410]  }
0x117: {  	v43 =	vld [tilespmem:s28+$0xC420]  }
0x118: {  	v44 =	vld [tilespmem:s28+$0xC430]  }
0x119: {  	v45 =	vld [tilespmem:s28+$0xC440]  }
0x11a: {  	v46 =	vld [tilespmem:s28+$0xC450]  }
0x11b: {  	v47 =	vld [tilespmem:s28+$0xC460]  }
0x11c: {  	v48 =	vld [tilespmem:s28+$0xC470];
	_ =	sdelay $0x1  }
0x11d: {  	v8 =	vmul.f32 v8, v0;
	v9 =	vmul.f32 v42, v1  }
0x11e: {  	v10 =	vmul.f32 v43, v2;
	v11 =	vmul.f32 v44, v3  }
0x11f: {  	s0 =	sadd.s32 $0xFFFF5555, s26;
	v12 =	vmul.f32 v45, v4;
	v13 =	vmul.f32 v46, v5  }
0x120: {  	s29 =	sshrl.u32 s0, $0x16;
	v14 =	vmul.f32 v47, v6;
	v15 =	vmul.f32 v48, v7  }
0x121: {  	s2 =	smul.u32 $0x60, s29;
	v8 =	vadd.f32 v9, v8;
	v49 =	vadd.f32 v11, v10  }
0x122: {  	v50 =	vadd.f32 v13, v12;
	v51 =	vadd.f32 v15, v14  }
0x123: {  	s30 =	sshrl.u32 s0, $0x19;
	s2 =	sxor.u32 $0xFFFFFFFF, s2  }
0x124: {  	s29 =	smul.u32 $0xC000, s30;
	s2 =	sadd.s32 s24, s2;
	v8 =	vadd.f32 v49, v8;
	v52 =	vadd.f32 v51, v50  }
0x125: {  	s31 =	sshll.u32 s2, $0x7  }
0x126: {  	s0 =	sshrl.u32 s0, $0xF;
	s29 =	sshrl.u32 s29, $0x2;
	s30 =	sand.u32 $0x3C00, s31;
	v8 =	vadd.f32 v52, v8  }
0x127: {  	s0 =	sand.u32 $0x380, s0;
	s2 =	sshll.u32 s2, $0x4;
	s29 =	sadd.s32 s30, s29  }
0x128: {  	s2 =	sand.u32 $0x70, s2;
	s0 =	sor.u32 s0, s29;
	v8 =	vsub.f32 $0.0e+00, v8  }
0x129: {  	s0 =	sor.u32 s2, s0  }
0x12a: {  	[tilespmem:s0+$0x1C300] =	vst v8  }
0x12b: {  	v8 =	vld [tilespmem:s28+$0xC480]  }
0x12c: {  	v53 =	vld [tilespmem:s28+$0xC490]  }
0x12d: {  	v54 =	vld [tilespmem:s28+$0xC4A0]  }
0x12e: {  	v55 =	vld [tilespmem:s28+$0xC4B0]  }
0x12f: {  	v56 =	vld [tilespmem:s28+$0xC4C0]  }
0x130: {  	v57 =	vld [tilespmem:s28+$0xC4D0]  }
0x131: {  	v58 =	vld [tilespmem:s28+$0xC4E0]  }
0x132: {  	v59 =	vld [tilespmem:s28+$0xC4F0];
	_ =	sdelay $0x1  }
0x133: {  	v0 =	vmul.f32 v8, v0;
	v1 =	vmul.f32 v53, v1  }
0x134: {  	v2 =	vmul.f32 v54, v2;
	v3 =	vmul.f32 v55, v3  }
0x135: {  	v4 =	vmul.f32 v56, v4;
	v5 =	vmul.f32 v57, v5  }
0x136: {  	v6 =	vmul.f32 v58, v6;
	v7 =	vmul.f32 v59, v7  }
0x137: {  	s29 =	sshrl.u32 s26, $0x16;
	v0 =	vadd.f32 v1, v0;
	v60 =	vadd.f32 v3, v2  }
0x138: {  	s0 =	smul.u32 $0x60, s29;
	v61 =	vadd.f32 v5, v4;
	v62 =	vadd.f32 v7, v6  }
0x139: {  	s30 =	sshrl.u32 s26, $0x19  }
0x13a: {  	s2 =	smul.u32 $0xC000, s30;
	s0 =	ssub.s32 s24, s0;
	v0 =	vadd.f32 v60, v0;
	v63 =	vadd.f32 v62, v61  }
0x13b: {  	p0 =	sne.s32 s22, $0x65;
	s26 =	sshrl.u32 s26, $0xF;
	s31 =	sshll.u32 s0, $0x7  }
.Ltmp1:
0x13c: {  	s2 =	sshrl.u32 s2, $0x2;
	s28 =	sand.u32 $0x3C00, s31;
	v0 =	vadd.f32 v63, v0;
	(pc) =	sbr.rel @p0 .LBB2_4-.Ltmp1, $4  }
0x13d: {  	s26 =	sand.u32 $0x380, s26;
	s0 =	sshll.u32 s0, $0x4;
	s2 =	sadd.s32 s28, s2  }
0x13e: {  	s0 =	sand.u32 $0x70, s0;
	s2 =	sor.u32 s26, s2;
	v0 =	vsub.f32 $0.0e+00, v0  }
0x13f: {  	s23 =	sadd.s32 $0xA00, s23;
	s0 =	sor.u32 s0, s2  }
0x140: {  	s25 =	sadd.s32 $0x200, s25;
	s22 =	sadd.s32 $0x1, s22;
	s24 =	sadd.s32 $0x5, s24;
	[tilespmem:s0+$0x1C300] =	vst v0  }
0x141: {  	_ =	swait.ge [sflag:s18], $0x4000;
	s22 =	simm.s32 $0x0  }
0x142: {  	s23 =	simm.s32 $0x282;
	s24 =	simm.s32 $0x300;
	[sflag:s18] =	ssyncset.done $0x0  }
0x143: {  	s25 =	simm.s32 $0x60;
	s26 =	simm.s32 $0xCC00;
	[sflag:s18] =	ssyncadd.s32 $0xFFFFC000  }
.LBB2_6:
0x144: {  	s0 =	sshra.s32 s26, $0x2  }
0x145: {  	v0 =	vld [tilespmem:s0+$0x18300]  }
0x146: {  	v1 =	vld [tilespmem:s0+$0x18310]  }
0x147: {  	v2 =	vld [tilespmem:s0+$0x18320]  }
0x148: {  	v3 =	vld [tilespmem:s0+$0x18330]  }
0x149: {  	v4 =	vld [tilespmem:s0+$0x18340]  }
0x14a: {  	v5 =	vld [tilespmem:s0+$0x18350]  }
0x14b: {  	v6 =	vld [tilespmem:s0+$0x18360]  }
0x14c: {  	v7 =	vld [tilespmem:s0+$0x18370]  }
0x14d: {  	v8 =	vld [tilespmem:s0+$0x300]  }
0x14e: {  	v9 =	vld [tilespmem:s0+$0x310]  }
0x14f: {  	v10 =	vld [tilespmem:s0+$0x320]  }
0x150: {  	v11 =	vld [tilespmem:s0+$0x330]  }
0x151: {  	v12 =	vld [tilespmem:s0+$0x340]  }
0x152: {  	v13 =	vld [tilespmem:s0+$0x350]  }
0x153: {  	v14 =	vld [tilespmem:s0+$0x360]  }
0x154: {  	v15 =	vld [tilespmem:s0+$0x370];
	_ =	sdelay $0x1  }
0x155: {  	v8 =	vmul.f32 v8, v0;
	v9 =	vmul.f32 v9, v1  }
0x156: {  	v10 =	vmul.f32 v10, v2;
	v11 =	vmul.f32 v11, v3  }
0x157: {  	v12 =	vmul.f32 v12, v4;
	v13 =	vmul.f32 v13, v5  }
0x158: {  	v14 =	vmul.f32 v14, v6;
	v15 =	vmul.f32 v15, v7  }
0x159: {  	v8 =	vadd.f32 v9, v8;
	v53 =	vadd.f32 v11, v10  }
0x15a: {  	v54 =	vadd.f32 v13, v12;
	v55 =	vadd.f32 v15, v14;
	_ =	sdelay $0x1  }
0x15b: {  	v8 =	vadd.f32 v53, v8;
	v56 =	vadd.f32 v55, v54;
	_ =	sdelay $0x1  }
0x15c: {  	s30 =	sand.u32 $0x70, s25;
	s2 =	sand.u32 $0x3C00, s24;
	v8 =	vadd.f32 v56, v8  }
0x15d: {  	s0 =	sor.u32 s30, s2  }
0x15e: {  	s29 =	sshra.s32 s22, $0x2;
	[tilespmem:s0+$0x1C380] =	vst v8  }
0x15f: {  	v8 =	vld [tilespmem:s29+$0x14200]  }
0x160: {  	v57 =	vld [tilespmem:s29+$0x14210]  }
0x161: {  	v58 =	vld [tilespmem:s29+$0x14220]  }
0x162: {  	v59 =	vld [tilespmem:s29+$0x14230]  }
0x163: {  	v60 =	vld [tilespmem:s29+$0x14240]  }
0x164: {  	v61 =	vld [tilespmem:s29+$0x14250]  }
0x165: {  	v62 =	vld [tilespmem:s29+$0x14260]  }
0x166: {  	v63 =	vld [tilespmem:s29+$0x14270];
	_ =	sdelay $0x1  }
0x167: {  	s28 =	smul.u32 $0xAAAB, s23;
	v8 =	vmul.f32 v8, v0;
	v9 =	vmul.f32 v57, v1  }
0x168: {  	v10 =	vmul.f32 v58, v2;
	v11 =	vmul.f32 v59, v3  }
0x169: {  	s0 =	sadd.s32 $0xFFFD5554, s28;
	v12 =	vmul.f32 v60, v4;
	v13 =	vmul.f32 v61, v5  }
0x16a: {  	s31 =	sshrl.u32 s0, $0x16;
	v14 =	vmul.f32 v62, v6;
	v15 =	vmul.f32 v63, v7  }
0x16b: {  	s2 =	smul.u32 $0x60, s31;
	v8 =	vadd.f32 v9, v8;
	v16 =	vadd.f32 v11, v10  }
0x16c: {  	v17 =	vadd.f32 v13, v12;
	v18 =	vadd.f32 v15, v14  }
0x16d: {  	s30 =	sshrl.u32 s0, $0x19;
	s2 =	ssub.s32 s23, s2  }
0x16e: {  	s30 =	smul.u32 $0xC000, s30;
	s2 =	sadd.s32 $0xFFFFFFFC, s2;
	v8 =	vadd.f32 v16, v8;
	v19 =	vadd.f32 v18, v17  }
0x16f: {  	s31 =	sshll.u32 s2, $0x7  }
0x170: {  	s0 =	sshrl.u32 s0, $0xF;
	s30 =	sshrl.u32 s30, $0x2;
	s31 =	sand.u32 $0x3C00, s31;
	v8 =	vadd.f32 v19, v8  }
0x171: {  	s0 =	sand.u32 $0x380, s0;
	s2 =	sshll.u32 s2, $0x4;
	s30 =	sadd.s32 s31, s30  }
0x172: {  	s2 =	sand.u32 $0x70, s2;
	s0 =	sor.u32 s0, s30;
	v8 =	vsub.f32 $0.0e+00, v8  }
0x173: {  	s0 =	sor.u32 s2, s0  }
0x174: {  	[tilespmem:s0+$0x1C300] =	vst v8  }
0x175: {  	v8 =	vld [tilespmem:s29+$0x14280]  }
0x176: {  	v20 =	vld [tilespmem:s29+$0x14290]  }
0x177: {  	v21 =	vld [tilespmem:s29+$0x142A0]  }
0x178: {  	v22 =	vld [tilespmem:s29+$0x142B0]  }
0x179: {  	v23 =	vld [tilespmem:s29+$0x142C0]  }
0x17a: {  	v24 =	vld [tilespmem:s29+$0x142D0]  }
0x17b: {  	v25 =	vld [tilespmem:s29+$0x142E0]  }
0x17c: {  	v26 =	vld [tilespmem:s29+$0x142F0];
	_ =	sdelay $0x1  }
0x17d: {  	v8 =	vmul.f32 v8, v0;
	v9 =	vmul.f32 v20, v1  }
0x17e: {  	v10 =	vmul.f32 v21, v2;
	v11 =	vmul.f32 v22, v3  }
0x17f: {  	s0 =	sadd.s32 $0xFFFDFFFF, s28;
	v12 =	vmul.f32 v23, v4;
	v13 =	vmul.f32 v24, v5  }
0x180: {  	s30 =	sshrl.u32 s0, $0x16;
	v14 =	vmul.f32 v25, v6;
	v15 =	vmul.f32 v26, v7  }
0x181: {  	s2 =	smul.u32 $0x60, s30;
	v8 =	vadd.f32 v9, v8;
	v27 =	vadd.f32 v11, v10  }
0x182: {  	v28 =	vadd.f32 v13, v12;
	v29 =	vadd.f32 v15, v14  }
0x183: {  	s31 =	sshrl.u32 s0, $0x19;
	s2 =	ssub.s32 s23, s2  }
0x184: {  	s30 =	smul.u32 $0xC000, s31;
	s2 =	sadd.s32 $0xFFFFFFFD, s2;
	v8 =	vadd.f32 v27, v8;
	v30 =	vadd.f32 v29, v28  }
0x185: {  	s31 =	sshll.u32 s2, $0x7  }
0x186: {  	s0 =	sshrl.u32 s0, $0xF;
	s30 =	sshrl.u32 s30, $0x2;
	s31 =	sand.u32 $0x3C00, s31;
	v8 =	vadd.f32 v30, v8  }
0x187: {  	s0 =	sand.u32 $0x380, s0;
	s2 =	sshll.u32 s2, $0x4;
	s30 =	sadd.s32 s31, s30  }
0x188: {  	s2 =	sand.u32 $0x70, s2;
	s0 =	sor.u32 s0, s30;
	v8 =	vsub.f32 $0.0e+00, v8  }
0x189: {  	s0 =	sor.u32 s2, s0  }
0x18a: {  	[tilespmem:s0+$0x1C300] =	vst v8  }
0x18b: {  	v8 =	vld [tilespmem:s29+$0x14300]  }
0x18c: {  	v31 =	vld [tilespmem:s29+$0x14310]  }
0x18d: {  	v32 =	vld [tilespmem:s29+$0x14320]  }
0x18e: {  	v33 =	vld [tilespmem:s29+$0x14330]  }
0x18f: {  	v34 =	vld [tilespmem:s29+$0x14340]  }
0x190: {  	v35 =	vld [tilespmem:s29+$0x14350]  }
0x191: {  	v36 =	vld [tilespmem:s29+$0x14360]  }
0x192: {  	v37 =	vld [tilespmem:s29+$0x14370];
	_ =	sdelay $0x1  }
0x193: {  	v8 =	vmul.f32 v8, v0;
	v9 =	vmul.f32 v31, v1  }
0x194: {  	v10 =	vmul.f32 v32, v2;
	v11 =	vmul.f32 v33, v3  }
0x195: {  	s0 =	sadd.s32 $0xFFFEAAAA, s28;
	v12 =	vmul.f32 v34, v4;
	v13 =	vmul.f32 v35, v5  }
0x196: {  	s30 =	sshrl.u32 s0, $0x16;
	v14 =	vmul.f32 v36, v6;
	v15 =	vmul.f32 v37, v7  }
0x197: {  	s2 =	smul.u32 $0x60, s30;
	v8 =	vadd.f32 v9, v8;
	v38 =	vadd.f32 v11, v10  }
0x198: {  	v39 =	vadd.f32 v13, v12;
	v40 =	vadd.f32 v15, v14  }
0x199: {  	s31 =	sshrl.u32 s0, $0x19;
	s2 =	ssub.s32 s23, s2  }
0x19a: {  	s30 =	smul.u32 $0xC000, s31;
	s2 =	sadd.s32 $0xFFFFFFFE, s2;
	v8 =	vadd.f32 v38, v8;
	v41 =	vadd.f32 v40, v39  }
0x19b: {  	s31 =	sshll.u32 s2, $0x7  }
0x19c: {  	s0 =	sshrl.u32 s0, $0xF;
	s30 =	sshrl.u32 s30, $0x2;
	s31 =	sand.u32 $0x3C00, s31;
	v8 =	vadd.f32 v41, v8  }
0x19d: {  	s0 =	sand.u32 $0x380, s0;
	s2 =	sshll.u32 s2, $0x4;
	s30 =	sadd.s32 s31, s30  }
0x19e: {  	s2 =	sand.u32 $0x70, s2;
	s0 =	sor.u32 s0, s30;
	v8 =	vsub.f32 $0.0e+00, v8  }
0x19f: {  	s0 =	sor.u32 s2, s0  }
0x1a0: {  	[tilespmem:s0+$0x1C300] =	vst v8  }
0x1a1: {  	v8 =	vld [tilespmem:s29+$0x14380]  }
0x1a2: {  	v42 =	vld [tilespmem:s29+$0x14390]  }
0x1a3: {  	v43 =	vld [tilespmem:s29+$0x143A0]  }
0x1a4: {  	v44 =	vld [tilespmem:s29+$0x143B0]  }
0x1a5: {  	v45 =	vld [tilespmem:s29+$0x143C0]  }
0x1a6: {  	v46 =	vld [tilespmem:s29+$0x143D0]  }
0x1a7: {  	v47 =	vld [tilespmem:s29+$0x143E0]  }
0x1a8: {  	v48 =	vld [tilespmem:s29+$0x143F0];
	_ =	sdelay $0x1  }
0x1a9: {  	v8 =	vmul.f32 v8, v0;
	v9 =	vmul.f32 v42, v1  }
0x1aa: {  	v10 =	vmul.f32 v43, v2;
	v11 =	vmul.f32 v44, v3  }
0x1ab: {  	s0 =	sadd.s32 $0xFFFF5555, s28;
	v12 =	vmul.f32 v45, v4;
	v13 =	vmul.f32 v46, v5  }
0x1ac: {  	s30 =	sshrl.u32 s0, $0x16;
	v14 =	vmul.f32 v47, v6;
	v15 =	vmul.f32 v48, v7  }
0x1ad: {  	s2 =	smul.u32 $0x60, s30;
	v8 =	vadd.f32 v9, v8;
	v49 =	vadd.f32 v11, v10  }
0x1ae: {  	v50 =	vadd.f32 v13, v12;
	v51 =	vadd.f32 v15, v14  }
0x1af: {  	s31 =	sshrl.u32 s0, $0x19;
	s2 =	sxor.u32 $0xFFFFFFFF, s2  }
0x1b0: {  	s30 =	smul.u32 $0xC000, s31;
	s2 =	sadd.s32 s23, s2;
	v8 =	vadd.f32 v49, v8;
	v52 =	vadd.f32 v51, v50  }
0x1b1: {  	s31 =	sshll.u32 s2, $0x7  }
0x1b2: {  	s0 =	sshrl.u32 s0, $0xF;
	s30 =	sshrl.u32 s30, $0x2;
	s31 =	sand.u32 $0x3C00, s31;
	v8 =	vadd.f32 v52, v8  }
0x1b3: {  	s0 =	sand.u32 $0x380, s0;
	s2 =	sshll.u32 s2, $0x4;
	s30 =	sadd.s32 s31, s30  }
0x1b4: {  	s2 =	sand.u32 $0x70, s2;
	s0 =	sor.u32 s0, s30;
	v8 =	vsub.f32 $0.0e+00, v8  }
0x1b5: {  	s0 =	sor.u32 s2, s0  }
0x1b6: {  	[tilespmem:s0+$0x1C300] =	vst v8  }
0x1b7: {  	v8 =	vld [tilespmem:s29+$0x14400]  }
0x1b8: {  	v53 =	vld [tilespmem:s29+$0x14410]  }
0x1b9: {  	v54 =	vld [tilespmem:s29+$0x14420]  }
0x1ba: {  	v55 =	vld [tilespmem:s29+$0x14430]  }
0x1bb: {  	v56 =	vld [tilespmem:s29+$0x14440]  }
0x1bc: {  	v57 =	vld [tilespmem:s29+$0x14450]  }
0x1bd: {  	v58 =	vld [tilespmem:s29+$0x14460]  }
0x1be: {  	v59 =	vld [tilespmem:s29+$0x14470];
	_ =	sdelay $0x1  }
0x1bf: {  	v0 =	vmul.f32 v8, v0;
	v1 =	vmul.f32 v53, v1  }
0x1c0: {  	v2 =	vmul.f32 v54, v2;
	v3 =	vmul.f32 v55, v3  }
0x1c1: {  	v4 =	vmul.f32 v56, v4;
	v5 =	vmul.f32 v57, v5  }
0x1c2: {  	v6 =	vmul.f32 v58, v6;
	v7 =	vmul.f32 v59, v7  }
0x1c3: {  	s29 =	sshrl.u32 s28, $0x16;
	v0 =	vadd.f32 v1, v0;
	v60 =	vadd.f32 v3, v2  }
0x1c4: {  	s30 =	sshrl.u32 s28, $0x19;
	s0 =	smul.u32 $0x60, s29;
	v61 =	vadd.f32 v5, v4;
	v62 =	vadd.f32 v7, v6  }
0x1c5: {  	s2 =	smul.u32 $0xC000, s30  }
0x1c6: {  	s0 =	ssub.s32 s23, s0;
	v0 =	vadd.f32 v60, v0;
	v63 =	vadd.f32 v62, v61  }
0x1c7: {  	p0 =	sne.s32 s22, $0xFA00;
	s2 =	sshrl.u32 s2, $0x2;
	s31 =	sshll.u32 s0, $0x7  }
.Ltmp2:
0x1c8: {  	s28 =	sshrl.u32 s28, $0xF;
	s29 =	sand.u32 $0x3C00, s31;
	v0 =	vadd.f32 v63, v0;
	(pc) =	sbr.rel @p0 .LBB2_6-.Ltmp2, $4  }
0x1c9: {  	s28 =	sand.u32 $0x380, s28;
	s0 =	sshll.u32 s0, $0x4;
	s2 =	sadd.s32 s29, s2  }
0x1ca: {  	s0 =	sand.u32 $0x70, s0;
	s2 =	sor.u32 s28, s2;
	v0 =	vsub.f32 $0.0e+00, v0  }
0x1cb: {  	s24 =	sadd.s32 $0x80, s24;
	s25 =	sadd.s32 $0x10, s25;
	s0 =	sor.u32 s0, s2  }
0x1cc: {  	s26 =	sadd.s32 $0x200, s26;
	s22 =	sadd.s32 $0xA00, s22;
	s23 =	sadd.s32 $0x5, s23;
	[tilespmem:s0+$0x1C300] =	vst v0  }
0x1cd: {  	s21 =	sadd.s32 $0x1, s21  }
0x1ce: {  	p0 =	sne.s32 s21, s8  }
.Ltmp3:
0x1cf: {  	_ = 	snop;
	(pc) =	sbr.rel @p0 .LBB2_1-.Ltmp3, $4  }
0x1d0: {  	[hbm4b:s7+s3] =	stream.linear.scatter [tilespmem:s19], [sflag:$0x3], $0x3000, $0x38;
	[tilespmem:$0x1F300] =	vst v63  }
0x1d1: {  	_ =	swait.ge [sflag:s20], $0x3000  }
0x1d2: {  	[sflag:s20] =	ssyncset.done $0x0  }
0x1d3: {  	[sflag:s20] =	ssyncadd.s32 $0xFFFFD000  }
0x1d4: {  	_ =	sfence.sel $0x180000  }
0x1d5: {  	[bflag:$0x0] =	sbarrier.arrive $0xFFFF  }
0x1d6: {  	_ =	strace $0x90000047  }
0x1d7: {  	s0 =	stileid.u32;
	[bflag:$0x2] =	sbarrier.arrive $0xFFFF  }
0x1d8: {  	p0 =	sne.s32 s0, $0x0;
	s0 =	rddreg [dreg:$0x4]  }
0x1d9: {  	s0 =	sadd.s32 @!p0 $0x100000, s0  }
0x1da: {  	[sflag:s0] =	ssyncadd.tile.s32 @!p0 $0x1;
	_ =	shalt  }
.Lfunc_end2:
_tile_overlayer_lowered:
.L_overlay_start_2:
0x1db: {  	(tag) =	ssettag $0x2  }
0x1dc: {  	s0 =	rddreg [dreg:$0x0];
	s2 =	stileid.u32  }
0x1dd: {  	s1 =	rddreg [dreg:$0x1];
	p0 =	sne.s32 s2, $0x0  }
0x1de: {  	s3 =	rddreg [dreg:$0x2];
	[bflag:$0x3] =	sbarrier.arrive $0xFFFF;
	s2 =	simm.s32 @!p0 $0x1C03  }
0x1df: {  	[timem:s3], [sflag:s2] =	dma.local @!p0 [hbm:s0], s1  }
0x1e0: {  	s0 =	simm.s32 @!p0 $0x3  }
0x1e1: {  	_ =	swait.ge @!p0 [sflag:s0], s1  }
0x1e2: {  	s1 =	ssub.s32 @!p0 $0x0, s1;
	[sflag:s0] =	ssyncset.done @!p0 $0x0  }
0x1e3: {  	[sflag:s0] =	ssyncadd.s32 @!p0 s1  }
0x1e4: {  	[bflag:$0x3] =	sbarrier.arrive $0xFFFF  }
0x1e5: {  	_ =	shalt  }

</sc_bundles>
